<compile_context>
chip_gen: v7x
topology: tpu7x:2x2x1
jax: 0.10.2.dev20260603
libtpu: 0.0.44.dev20260713+nightly
codegen_flags: <defaults>
</compile_context>

<pallas_src>
import jax
import jax.numpy as jnp
from jax import lax
from jax.experimental import pallas as pl
from jax.experimental.pallas import tpu as pltpu
from jax.experimental.pallas import tpu_sc as plsc

NC, NS, L = 2, 16, 16
NW = NC * NS
SEQ, HID = 4096, 2048
MAXE = 64
K = 8
SEQ_SC = 1024
RPW = SEQ_SC // NW
CHUNK = 16
NCHUNK = RPW // CHUNK
NBUF = 2
TCBLK = 512
NBLK = (SEQ - SEQ_SC) // TCBLK
BIG = 2**30


def _lanes():
    return lax.broadcasted_iota(jnp.int32, (L,), 0)


def _stage1_body(ev, vals, idxs, buf0, buf1, norms, stage_v, stage_i,
                 sem0, sem1):
    cid = lax.axis_index("c")
    sid = lax.axis_index("s")
    wid = sid * NC + cid
    base = wid * RPW
    lanes = _lanes()

    bufs = (buf0, buf1)
    sems = (sem0, sem1)
    copies = [None] * NBUF
    for c in range(min(NBUF, NCHUNK)):
        copies[c] = pltpu.async_copy(
            ev.at[pl.ds(base + c * CHUNK, CHUNK), :], bufs[c], sems[c])
    for c in range(NCHUNK):
        copies[c % NBUF].wait()
        if c + NBUF < NCHUNK:
            copies[c % NBUF] = pltpu.async_copy(
                ev.at[pl.ds(base + (c + NBUF) * CHUNK, CHUNK), :],
                bufs[c % NBUF], sems[c % NBUF])
        buf = bufs[c % NBUF]

        def row_body(r, sums):
            def col_body(j, accs):
                a0, a1, a2, a3 = accs
                o = j * (8 * L)
                for u in range(8):
                    v = buf[r, pl.ds(o + u * L, L)]
                    if u % 4 == 0:
                        a0 = a0 + v * v
                    elif u % 4 == 1:
                        a1 = a1 + v * v
                    elif u % 4 == 2:
                        a2 = a2 + v * v
                    else:
                        a3 = a3 + v * v
                return a0, a1, a2, a3

            z = jnp.zeros((L,), jnp.float32)
            a0, a1, a2, a3 = lax.fori_loop(0, HID // (8 * L), col_body,
                                           (z, z, z, z))
            tot = jnp.sum((a0 + a1) + (a2 + a3))
            return jnp.where(lanes == r, tot, sums)

        sums = lax.fori_loop(0, CHUNK, row_body, jnp.zeros((L,), jnp.float32))
        norms[pl.ds(c * CHUNK, CHUNK)] = sums

    cval = jnp.full((L,), -1.0, jnp.float32)
    cidx = jnp.full((L,), BIG, jnp.int32)
    for t in range(K):
        def amax(k, carry):
            rv, ri = carry
            v = norms[pl.ds(k * L, L)]
            gi = base + k * L + lanes
            upd = (v > rv) | ((v == rv) & (gi < ri))
            return jnp.where(upd, v, rv), jnp.where(upd, gi, ri)

        rv, ri = lax.fori_loop(0, RPW // L, amax,
                               (jnp.full((L,), -2.0, jnp.float32),
                                jnp.full((L,), BIG, jnp.int32)))
        mv = jnp.max(rv)
        gv = jnp.min(jnp.where(rv == mv, ri, BIG))
        cval = jnp.where(lanes == t, mv, cval)
        cidx = jnp.where(lanes == t, gv, cidx)
        plsc.store_scatter(norms, [jnp.full((L,), gv - base, jnp.int32)],
                           jnp.full((L,), -1.0, jnp.float32),
                           mask=lanes == 0)

    stage_v[...] = cval
    stage_i[...] = cidx
    pltpu.sync_copy(stage_v, vals.at[pl.ds(wid * L, L)])
    pltpu.sync_copy(stage_i, idxs.at[pl.ds(wid * L, L)])


_stage1 = pl.kernel(
    _stage1_body,
    out_type=(jax.ShapeDtypeStruct((NW * L,), jnp.float32),
              jax.ShapeDtypeStruct((NW * L,), jnp.int32)),
    mesh=plsc.VectorSubcoreMesh(core_axis_name="c", subcore_axis_name="s", num_cores=NC),
    compiler_params=pltpu.CompilerParams(needs_layout_passes=False, skip_device_barrier=True),
    scratch_types=[
        pltpu.VMEM((CHUNK, HID), jnp.float32),
        pltpu.VMEM((CHUNK, HID), jnp.float32),
        pltpu.VMEM((RPW,), jnp.float32),
        pltpu.VMEM((L,), jnp.float32),
        pltpu.VMEM((L,), jnp.int32),
        pltpu.SemaphoreType.DMA,
        pltpu.SemaphoreType.DMA,
    ],
)

def _tcnorms_body(ev_ref, err_ref, nout_ref, fill_ref):
    x = ev_ref[...]
    nout_ref[...] = jnp.sum(x * x, axis=1).reshape(1, 1, TCBLK)

    @pl.when(pl.program_id(0) == 0)
    def _():
        fill_ref[...] = err_ref[...]


_tcnorms = pl.pallas_call(
    _tcnorms_body,
    grid=(NBLK,),
    in_specs=[pl.BlockSpec((TCBLK, HID), lambda g: (g + SEQ_SC // TCBLK, 0)),
              pl.BlockSpec((MAXE, HID), lambda g: (0, 0))],
    out_specs=[pl.BlockSpec((1, 1, TCBLK), lambda g: (g, 0, 0)),
               pl.BlockSpec((MAXE, HID), lambda g: (0, 0))],
    out_shape=[jax.ShapeDtypeStruct((NBLK, 1, TCBLK), jnp.float32),
               jax.ShapeDtypeStruct((MAXE, HID), jnp.float32)],
)


def _tcmerge_body(fill_ref, ev_ref, scv_ref, sci_ref, tcn_ref, out_ref,
                  rows, sem):
    V1 = scv_ref[...]
    I1 = sci_ref[...]
    V2 = tcn_ref[...]
    I2 = (SEQ_SC
          + lax.broadcasted_iota(jnp.int32, V2.shape, 0) * V2.shape[1]
          + lax.broadcasted_iota(jnp.int32, V2.shape, 1))
    copies = []
    for t in range(K):
        mv = jnp.maximum(jnp.max(V1), jnp.max(V2))
        sel = jnp.minimum(jnp.min(jnp.where(V1 == mv, I1, BIG)),
                          jnp.min(jnp.where(V2 == mv, I2, BIG)))
        V1 = jnp.where(I1 == sel, -2.0, V1)
        V2 = jnp.where(I2 == sel, -2.0, V2)
        c = pltpu.make_async_copy(ev_ref.at[pl.ds(sel, 1), :],
                                  rows.at[pl.ds(t, 1), :], sem)
        c.start()
        copies.append(c)
    for c in copies:
        c.wait()
    out_ref[...] = rows[...]


_tcmerge = pl.pallas_call(
    _tcmerge_body,
    grid=(1,),
    in_specs=[
        pl.BlockSpec(memory_space=pl.ANY),
        pl.BlockSpec(memory_space=pl.ANY),
        pl.BlockSpec((NW * L // 128, 128), lambda g: (0, 0)),
        pl.BlockSpec((NW * L // 128, 128), lambda g: (0, 0)),
        pl.BlockSpec(((SEQ - SEQ_SC) // 128, 128), lambda g: (0, 0)),
    ],
    out_specs=pl.BlockSpec((K, HID), lambda g: (0, 0)),
    out_shape=jax.ShapeDtypeStruct((MAXE, HID), jnp.float32),
    input_output_aliases={0: 0},
    scratch_shapes=[pltpu.VMEM((K, HID), jnp.float32),
                    pltpu.SemaphoreType.DMA],
)


@jax.jit
def kernel(error_vectors, errors):
    ev = error_vectors.reshape(4 * SEQ, HID)
    vals, idxs = _stage1(ev)
    norms_hi, fill = _tcnorms(ev, errors)
    return _tcmerge(fill, ev,
                    vals.reshape(-1, 128), idxs.reshape(-1, 128),
                    norms_hi.reshape(-1, 128))

# --- scband reference (transcript-rebuilt; emitter-appended) ---
"""Pipeline reference for scband-error-memory-bank-79302276153787 (READ-ONLY COPY).

The authoritative reference and input builder live on the scoring server;
editing this copy changes nothing except your own understanding.
"""

import jax, jax.numpy as jnp
import numpy as np

MAX_ERRORS = 64
HIDDEN = 2048


def setup_inputs(seed: int = 0) -> dict:
    key = jax.random.key(seed)
    k1, _ = jax.random.split(key)
    error_vectors = jax.random.normal(k1, (4, 4096, HIDDEN), dtype=jnp.float32)
    errors = jnp.zeros((MAX_ERRORS, HIDDEN), dtype=jnp.float32)
    return {"error_vectors": error_vectors, "errors": errors}


def reference(error_vectors, errors):
    # Faithful translation of ErrorMemoryBank.store_errors with fresh state
    # (n_stored=0, write_ptr=0). Returns the updated error buffer.
    error_summary = error_vectors[0]                      # [seq_len, hidden]
    error_norms = jnp.linalg.norm(error_summary, axis=-1)  # [seq_len]
    k = min(8, error_summary.shape[0], MAX_ERRORS - 0)     # = 8
    _, top_indices = jax.lax.top_k(error_norms, k)
    top_errors = jnp.take(error_summary, top_indices, axis=0)  # gather [k, hidden]
    # circular-buffer write: positions (write_ptr + i) % max_errors, write_ptr=0
    write_idx = jnp.mod(jnp.arange(k), MAX_ERRORS)
    # torch stores .detach()-ed vectors into the buffer
    new_errors = errors.at[write_idx].set(jax.lax.stop_gradient(top_errors))
    return new_errors

if __name__ == "__main__":
    import jax
    _d = setup_inputs()
    print(jax.jit(kernel)(*tuple(_d.values())))

</pallas_src>

<mosaic_0001>
#map = affine_map<(d0, d1) -> (0, 0)>
#map1 = affine_map<(d0, d1) -> (0)>
module attributes {stable_mosaic.version = 14 : i64} {
  func.func @_stage1_body(%arg0: i32, %arg1: i32, %arg2: memref<16384x2048xf32, #tpu.memory_space<hbm>>, %arg3: memref<512xf32, #tpu.memory_space<hbm>>, %arg4: memref<512xi32, #tpu.memory_space<hbm>>, %arg5: memref<16x2048xf32, #tpu.memory_space<vmem>>, %arg6: memref<16x2048xf32, #tpu.memory_space<vmem>>, %arg7: memref<32xf32, #tpu.memory_space<vmem>>, %arg8: memref<16xf32, #tpu.memory_space<vmem>>, %arg9: memref<16xi32, #tpu.memory_space<vmem>>, %arg10: memref<!tpu.dma_semaphore, #tpu.memory_space<semaphore_mem>>, %arg11: memref<!tpu.dma_semaphore, #tpu.memory_space<semaphore_mem>>) attributes {dimension_semantics = [#tpu.dimension_semantics<core_parallel>, #tpu.dimension_semantics<subcore_parallel>], iteration_bounds = array<i64: 2, 16>, scalar_prefetch = 0 : i64, scratch_operands = 7 : i64, tpu.core_type = #tpu.core_type<sc_vector_subcore>, window_params = [{transform_indices = #map}, {transform_indices = #map1}, {transform_indices = #map1}]} {
    %mul3A = arith.constant 2 : i32
    %mul3A_0 = arith.muli %arg1, %mul3A : i32
    %add3A = arith.addi %mul3A_0, %arg0 : i32
    %mul3A_1 = arith.constant 32 : i32
    %mul3A_2 = arith.muli %add3A, %mul3A_1 : i32
    %iota3A = tpu.iota {dimensions = array<i32: 0>} : vector<16xi32>
    %add3A_3 = arith.constant 0 : i32
    %add3A_4 = arith.addi %mul3A_2, %add3A_3 : i32
    %dma_start3A = arith.constant 0 : i32
    %dma_start3A_5 = tpu.memref_slice %arg2[%add3A_4, %dma_start3A] : memref<16384x2048xf32, #tpu.memory_space<hbm>> -> memref<16x2048xf32, #tpu.memory_space<hbm>>
    %dma_start3A_6 = arith.constant 0 : i32
    %dma_start3A_7 = tpu.memref_slice %arg2[%add3A_4, %dma_start3A_6] : memref<16384x2048xf32, #tpu.memory_space<hbm>> -> memref<16x2048xf32, #tpu.memory_space<hbm>>
    tpu.enqueue_dma source(%dma_start3A_7 : memref<16x2048xf32, #tpu.memory_space<hbm>>) target(%arg5 : memref<16x2048xf32, #tpu.memory_space<vmem>>) target_semaphore(%arg10 : memref<!tpu.dma_semaphore, #tpu.memory_space<semaphore_mem>>)
    %add3A_8 = arith.constant 16 : i32
    %add3A_9 = arith.addi %mul3A_2, %add3A_8 : i32
    %dma_start3A_10 = arith.constant 0 : i32
    %dma_start3A_11 = tpu.memref_slice %arg2[%add3A_9, %dma_start3A_10] : memref<16384x2048xf32, #tpu.memory_space<hbm>> -> memref<16x2048xf32, #tpu.memory_space<hbm>>
    %dma_start3A_12 = arith.constant 0 : i32
    %dma_start3A_13 = tpu.memref_slice %arg2[%add3A_9, %dma_start3A_12] : memref<16384x2048xf32, #tpu.memory_space<hbm>> -> memref<16x2048xf32, #tpu.memory_space<hbm>>
    tpu.enqueue_dma source(%dma_start3A_13 : memref<16x2048xf32, #tpu.memory_space<hbm>>) target(%arg6 : memref<16x2048xf32, #tpu.memory_space<vmem>>) target_semaphore(%arg11 : memref<!tpu.dma_semaphore, #tpu.memory_space<semaphore_mem>>)
    %dma_wait3A = arith.constant 0 : i32
    %dma_wait3A_14 = tpu.memref_slice %arg2[%add3A_4, %dma_wait3A] : memref<16384x2048xf32, #tpu.memory_space<hbm>> -> memref<16x2048xf32, #tpu.memory_space<hbm>>
    %dma_wait3A_15 = arith.constant 0 : i32
    %dma_wait3A_16 = tpu.memref_slice %arg2[%add3A_4, %dma_wait3A_15] : memref<16384x2048xf32, #tpu.memory_space<hbm>> -> memref<16x2048xf32, #tpu.memory_space<hbm>>
    tpu.wait_dma2 semaphore(%arg10 : memref<!tpu.dma_semaphore, #tpu.memory_space<semaphore_mem>>) src(%dma_wait3A_16 : memref<16x2048xf32, #tpu.memory_space<hbm>>) dst(%arg5 : memref<16x2048xf32, #tpu.memory_space<vmem>>)
    %broadcast_in_dim3A = arith.constant 0.000000e+00 : f32
    %broadcast_in_dim3A_17 = vector.broadcast %broadcast_in_dim3A : f32 to vector<16xf32>
    %scan3A = arith.constant 0 : i32
    %scan3A_18 = arith.constant 16 : i32
    %scan3A_19 = arith.addi %scan3A, %scan3A_18 : i32
    %scan3A_20 = arith.constant 1 : i32
    %scan3A_21 = scf.for %scan3A_396 = %scan3A to %scan3A_19 step %scan3A_20 iter_args(%scan3A_397 = %broadcast_in_dim3A_17) -> (vector<16xf32>)  : i32 {
      %broadcast_in_dim3A_398 = arith.constant 0.000000e+00 : f32
      %broadcast_in_dim3A_399 = vector.broadcast %broadcast_in_dim3A_398 : f32 to vector<16xf32>
      %scan3A_400 = arith.constant 0 : i32
      %scan3A_401 = arith.constant 16 : i32
      %scan3A_402 = arith.addi %scan3A_400, %scan3A_401 : i32
      %scan3A_403 = arith.constant 1 : i32
      %scan3A_404:4 = scf.for %scan3A_416 = %scan3A_400 to %scan3A_402 step %scan3A_403 iter_args(%scan3A_417 = %broadcast_in_dim3A_399, %scan3A_418 = %broadcast_in_dim3A_399, %scan3A_419 = %broadcast_in_dim3A_399, %scan3A_420 = %broadcast_in_dim3A_399) -> (vector<16xf32>, vector<16xf32>, vector<16xf32>, vector<16xf32>)  : i32 {
        %mul3A_421 = arith.constant 128 : i32
        %mul3A_422 = arith.muli %scan3A_416, %mul3A_421 : i32
        %add3A_423 = arith.constant 0 : i32
        %add3A_424 = arith.addi %mul3A_422, %add3A_423 : i32
        %get3A = arith.index_cast %scan3A_396 : i32 to index
        %get3A_425 = arith.index_cast %add3A_424 : i32 to index
        %get3A_426 = tpu.vector_load %arg5[%get3A, %get3A_425] {strides = array<i32>} : memref<16x2048xf32, #tpu.memory_space<vmem>>, vector<16xf32>,
        %mul3A_427 = arith.mulf %get3A_426, %get3A_426 : vector<16xf32>
        %add3A_428 = arith.addf %scan3A_417, %mul3A_427 : vector<16xf32>
        %add3A_429 = arith.constant 16 : i32
        %add3A_430 = arith.addi %mul3A_422, %add3A_429 : i32
        %get3A_431 = arith.index_cast %scan3A_396 : i32 to index
        %get3A_432 = arith.index_cast %add3A_430 : i32 to index
        %get3A_433 = tpu.vector_load %arg5[%get3A_431, %get3A_432] {strides = array<i32>} : memref<16x2048xf32, #tpu.memory_space<vmem>>, vector<16xf32>,
        %mul3A_434 = arith.mulf %get3A_433, %get3A_433 : vector<16xf32>
        %add3A_435 = arith.addf %scan3A_418, %mul3A_434 : vector<16xf32>
        %add3A_436 = arith.constant 32 : i32
        %add3A_437 = arith.addi %mul3A_422, %add3A_436 : i32
        %get3A_438 = arith.index_cast %scan3A_396 : i32 to index
        %get3A_439 = arith.index_cast %add3A_437 : i32 to index
        %get3A_440 = tpu.vector_load %arg5[%get3A_438, %get3A_439] {strides = array<i32>} : memref<16x2048xf32, #tpu.memory_space<vmem>>, vector<16xf32>,
        %mul3A_441 = arith.mulf %get3A_440, %get3A_440 : vector<16xf32>
        %add3A_442 = arith.addf %scan3A_419, %mul3A_441 : vector<16xf32>
        %add3A_443 = arith.constant 48 : i32
        %add3A_444 = arith.addi %mul3A_422, %add3A_443 : i32
        %get3A_445 = arith.index_cast %scan3A_396 : i32 to index
        %get3A_446 = arith.index_cast %add3A_444 : i32 to index
        %get3A_447 = tpu.vector_load %arg5[%get3A_445, %get3A_446] {strides = array<i32>} : memref<16x2048xf32, #tpu.memory_space<vmem>>, vector<16xf32>,
        %mul3A_448 = arith.mulf %get3A_447, %get3A_447 : vector<16xf32>
        %add3A_449 = arith.addf %scan3A_420, %mul3A_448 : vector<16xf32>
        %add3A_450 = arith.constant 64 : i32
        %add3A_451 = arith.addi %mul3A_422, %add3A_450 : i32
        %get3A_452 = arith.index_cast %scan3A_396 : i32 to index
        %get3A_453 = arith.index_cast %add3A_451 : i32 to index
        %get3A_454 = tpu.vector_load %arg5[%get3A_452, %get3A_453] {strides = array<i32>} : memref<16x2048xf32, #tpu.memory_space<vmem>>, vector<16xf32>,
        %mul3A_455 = arith.mulf %get3A_454, %get3A_454 : vector<16xf32>
        %add3A_456 = arith.addf %add3A_428, %mul3A_455 : vector<16xf32>
        %add3A_457 = arith.constant 80 : i32
        %add3A_458 = arith.addi %mul3A_422, %add3A_457 : i32
        %get3A_459 = arith.index_cast %scan3A_396 : i32 to index
        %get3A_460 = arith.index_cast %add3A_458 : i32 to index
        %get3A_461 = tpu.vector_load %arg5[%get3A_459, %get3A_460] {strides = array<i32>} : memref<16x2048xf32, #tpu.memory_space<vmem>>, vector<16xf32>,
        %mul3A_462 = arith.mulf %get3A_461, %get3A_461 : vector<16xf32>
        %add3A_463 = arith.addf %add3A_435, %mul3A_462 : vector<16xf32>
        %add3A_464 = arith.constant 96 : i32
        %add3A_465 = arith.addi %mul3A_422, %add3A_464 : i32
        %get3A_466 = arith.index_cast %scan3A_396 : i32 to index
        %get3A_467 = arith.index_cast %add3A_465 : i32 to index
        %get3A_468 = tpu.vector_load %arg5[%get3A_466, %get3A_467] {strides = array<i32>} : memref<16x2048xf32, #tpu.memory_space<vmem>>, vector<16xf32>,
        %mul3A_469 = arith.mulf %get3A_468, %get3A_468 : vector<16xf32>
        %add3A_470 = arith.addf %add3A_442, %mul3A_469 : vector<16xf32>
        %add3A_471 = arith.constant 112 : i32
        %add3A_472 = arith.addi %mul3A_422, %add3A_471 : i32
        %get3A_473 = arith.index_cast %scan3A_396 : i32 to index
        %get3A_474 = arith.index_cast %add3A_472 : i32 to index
        %get3A_475 = tpu.vector_load %arg5[%get3A_473, %get3A_474] {strides = array<i32>} : memref<16x2048xf32, #tpu.memory_space<vmem>>, vector<16xf32>,
        %mul3A_476 = arith.mulf %get3A_475, %get3A_475 : vector<16xf32>
        %add3A_477 = arith.addf %add3A_449, %mul3A_476 : vector<16xf32>
        scf.yield %add3A_456, %add3A_463, %add3A_470, %add3A_477 : vector<16xf32>, vector<16xf32>, vector<16xf32>, vector<16xf32>
      }
      %scan3A_405 = arith.constant 16 : i32
      %add3A_406 = arith.addf %scan3A_404#0, %scan3A_404#1 : vector<16xf32>
      %add3A_407 = arith.addf %scan3A_404#2, %scan3A_404#3 : vector<16xf32>
      %add3A_408 = arith.addf %add3A_406, %add3A_407 : vector<16xf32>
      %reduce_sum3A = arith.constant true
      %reduce_sum3A_409 = vector.broadcast %reduce_sum3A : i1 to vector<16xi1>
      %reduce_sum3A_410 = tpu.scan <sum>, %add3A_408 masked %reduce_sum3A_409 : vector<16xf32>, vector<16xi1> -> vector<16xf32>
      %reduce_sum3A_411 = vector.extract %reduce_sum3A_410[15] : f32 from vector<16xf32>
      %eq3A_412 = vector.broadcast %scan3A_396 : i32 to vector<16xi32>
      %eq3A_413 = arith.cmpi eq, %iota3A, %eq3A_412 : vector<16xi32>
      %broadcast_in_dim3A_414 = vector.broadcast %reduce_sum3A_411 : f32 to vector<16xf32>
      %select_n3A_415 = arith.select %eq3A_413, %broadcast_in_dim3A_414, %scan3A_397 : vector<16xi1>, vector<16xf32>
      scf.yield %select_n3A_415 : vector<16xf32>
    }
    %scan3A_22 = arith.constant 16 : i32
    %swap3A = arith.constant 0 : index
    %swap3A_23 = tpu.vector_load %arg7[%swap3A] {strides = array<i32>} : memref<32xf32, #tpu.memory_space<vmem>>, vector<16xf32>,
    tpu.vector_store %arg7[%swap3A], %scan3A_21 {strides = array<i32>} : memref<32xf32, #tpu.memory_space<vmem>>, vector<16xf32>,
    %dma_wait3A_24 = arith.constant 0 : i32
    %dma_wait3A_25 = tpu.memref_slice %arg2[%add3A_9, %dma_wait3A_24] : memref<16384x2048xf32, #tpu.memory_space<hbm>> -> memref<16x2048xf32, #tpu.memory_space<hbm>>
    %dma_wait3A_26 = arith.constant 0 : i32
    %dma_wait3A_27 = tpu.memref_slice %arg2[%add3A_9, %dma_wait3A_26] : memref<16384x2048xf32, #tpu.memory_space<hbm>> -> memref<16x2048xf32, #tpu.memory_space<hbm>>
    tpu.wait_dma2 semaphore(%arg11 : memref<!tpu.dma_semaphore, #tpu.memory_space<semaphore_mem>>) src(%dma_wait3A_27 : memref<16x2048xf32, #tpu.memory_space<hbm>>) dst(%arg6 : memref<16x2048xf32, #tpu.memory_space<vmem>>)
    %broadcast_in_dim3A_28 = arith.constant 0.000000e+00 : f32
    %broadcast_in_dim3A_29 = vector.broadcast %broadcast_in_dim3A_28 : f32 to vector<16xf32>
    %scan3A_30 = arith.constant 0 : i32
    %scan3A_31 = arith.constant 16 : i32
    %scan3A_32 = arith.addi %scan3A_30, %scan3A_31 : i32
    %scan3A_33 = arith.constant 1 : i32
    %scan3A_34 = scf.for %scan3A_396 = %scan3A_30 to %scan3A_32 step %scan3A_33 iter_args(%scan3A_397 = %broadcast_in_dim3A_29) -> (vector<16xf32>)  : i32 {
      %broadcast_in_dim3A_398 = arith.constant 0.000000e+00 : f32
      %broadcast_in_dim3A_399 = vector.broadcast %broadcast_in_dim3A_398 : f32 to vector<16xf32>
      %scan3A_400 = arith.constant 0 : i32
      %scan3A_401 = arith.constant 16 : i32
      %scan3A_402 = arith.addi %scan3A_400, %scan3A_401 : i32
      %scan3A_403 = arith.constant 1 : i32
      %scan3A_404:4 = scf.for %scan3A_416 = %scan3A_400 to %scan3A_402 step %scan3A_403 iter_args(%scan3A_417 = %broadcast_in_dim3A_399, %scan3A_418 = %broadcast_in_dim3A_399, %scan3A_419 = %broadcast_in_dim3A_399, %scan3A_420 = %broadcast_in_dim3A_399) -> (vector<16xf32>, vector<16xf32>, vector<16xf32>, vector<16xf32>)  : i32 {
        %mul3A_421 = arith.constant 128 : i32
        %mul3A_422 = arith.muli %scan3A_416, %mul3A_421 : i32
        %add3A_423 = arith.constant 0 : i32
        %add3A_424 = arith.addi %mul3A_422, %add3A_423 : i32
        %get3A = arith.index_cast %scan3A_396 : i32 to index
        %get3A_425 = arith.index_cast %add3A_424 : i32 to index
        %get3A_426 = tpu.vector_load %arg6[%get3A, %get3A_425] {strides = array<i32>} : memref<16x2048xf32, #tpu.memory_space<vmem>>, vector<16xf32>,
        %mul3A_427 = arith.mulf %get3A_426, %get3A_426 : vector<16xf32>
        %add3A_428 = arith.addf %scan3A_417, %mul3A_427 : vector<16xf32>
        %add3A_429 = arith.constant 16 : i32
        %add3A_430 = arith.addi %mul3A_422, %add3A_429 : i32
        %get3A_431 = arith.index_cast %scan3A_396 : i32 to index
        %get3A_432 = arith.index_cast %add3A_430 : i32 to index
        %get3A_433 = tpu.vector_load %arg6[%get3A_431, %get3A_432] {strides = array<i32>} : memref<16x2048xf32, #tpu.memory_space<vmem>>, vector<16xf32>,
        %mul3A_434 = arith.mulf %get3A_433, %get3A_433 : vector<16xf32>
        %add3A_435 = arith.addf %scan3A_418, %mul3A_434 : vector<16xf32>
        %add3A_436 = arith.constant 32 : i32
        %add3A_437 = arith.addi %mul3A_422, %add3A_436 : i32
        %get3A_438 = arith.index_cast %scan3A_396 : i32 to index
        %get3A_439 = arith.index_cast %add3A_437 : i32 to index
        %get3A_440 = tpu.vector_load %arg6[%get3A_438, %get3A_439] {strides = array<i32>} : memref<16x2048xf32, #tpu.memory_space<vmem>>, vector<16xf32>,
        %mul3A_441 = arith.mulf %get3A_440, %get3A_440 : vector<16xf32>
        %add3A_442 = arith.addf %scan3A_419, %mul3A_441 : vector<16xf32>
        %add3A_443 = arith.constant 48 : i32
        %add3A_444 = arith.addi %mul3A_422, %add3A_443 : i32
        %get3A_445 = arith.index_cast %scan3A_396 : i32 to index
        %get3A_446 = arith.index_cast %add3A_444 : i32 to index
        %get3A_447 = tpu.vector_load %arg6[%get3A_445, %get3A_446] {strides = array<i32>} : memref<16x2048xf32, #tpu.memory_space<vmem>>, vector<16xf32>,
        %mul3A_448 = arith.mulf %get3A_447, %get3A_447 : vector<16xf32>
        %add3A_449 = arith.addf %scan3A_420, %mul3A_448 : vector<16xf32>
        %add3A_450 = arith.constant 64 : i32
        %add3A_451 = arith.addi %mul3A_422, %add3A_450 : i32
        %get3A_452 = arith.index_cast %scan3A_396 : i32 to index
        %get3A_453 = arith.index_cast %add3A_451 : i32 to index
        %get3A_454 = tpu.vector_load %arg6[%get3A_452, %get3A_453] {strides = array<i32>} : memref<16x2048xf32, #tpu.memory_space<vmem>>, vector<16xf32>,
        %mul3A_455 = arith.mulf %get3A_454, %get3A_454 : vector<16xf32>
        %add3A_456 = arith.addf %add3A_428, %mul3A_455 : vector<16xf32>
        %add3A_457 = arith.constant 80 : i32
        %add3A_458 = arith.addi %mul3A_422, %add3A_457 : i32
        %get3A_459 = arith.index_cast %scan3A_396 : i32 to index
        %get3A_460 = arith.index_cast %add3A_458 : i32 to index
        %get3A_461 = tpu.vector_load %arg6[%get3A_459, %get3A_460] {strides = array<i32>} : memref<16x2048xf32, #tpu.memory_space<vmem>>, vector<16xf32>,
        %mul3A_462 = arith.mulf %get3A_461, %get3A_461 : vector<16xf32>
        %add3A_463 = arith.addf %add3A_435, %mul3A_462 : vector<16xf32>
        %add3A_464 = arith.constant 96 : i32
        %add3A_465 = arith.addi %mul3A_422, %add3A_464 : i32
        %get3A_466 = arith.index_cast %scan3A_396 : i32 to index
        %get3A_467 = arith.index_cast %add3A_465 : i32 to index
        %get3A_468 = tpu.vector_load %arg6[%get3A_466, %get3A_467] {strides = array<i32>} : memref<16x2048xf32, #tpu.memory_space<vmem>>, vector<16xf32>,
        %mul3A_469 = arith.mulf %get3A_468, %get3A_468 : vector<16xf32>
        %add3A_470 = arith.addf %add3A_442, %mul3A_469 : vector<16xf32>
        %add3A_471 = arith.constant 112 : i32
        %add3A_472 = arith.addi %mul3A_422, %add3A_471 : i32
        %get3A_473 = arith.index_cast %scan3A_396 : i32 to index
        %get3A_474 = arith.index_cast %add3A_472 : i32 to index
        %get3A_475 = tpu.vector_load %arg6[%get3A_473, %get3A_474] {strides = array<i32>} : memref<16x2048xf32, #tpu.memory_space<vmem>>, vector<16xf32>,
        %mul3A_476 = arith.mulf %get3A_475, %get3A_475 : vector<16xf32>
        %add3A_477 = arith.addf %add3A_449, %mul3A_476 : vector<16xf32>
        scf.yield %add3A_456, %add3A_463, %add3A_470, %add3A_477 : vector<16xf32>, vector<16xf32>, vector<16xf32>, vector<16xf32>
      }
      %scan3A_405 = arith.constant 16 : i32
      %add3A_406 = arith.addf %scan3A_404#0, %scan3A_404#1 : vector<16xf32>
      %add3A_407 = arith.addf %scan3A_404#2, %scan3A_404#3 : vector<16xf32>
      %add3A_408 = arith.addf %add3A_406, %add3A_407 : vector<16xf32>
      %reduce_sum3A = arith.constant true
      %reduce_sum3A_409 = vector.broadcast %reduce_sum3A : i1 to vector<16xi1>
      %reduce_sum3A_410 = tpu.scan <sum>, %add3A_408 masked %reduce_sum3A_409 : vector<16xf32>, vector<16xi1> -> vector<16xf32>
      %reduce_sum3A_411 = vector.extract %reduce_sum3A_410[15] : f32 from vector<16xf32>
      %eq3A_412 = vector.broadcast %scan3A_396 : i32 to vector<16xi32>
      %eq3A_413 = arith.cmpi eq, %iota3A, %eq3A_412 : vector<16xi32>
      %broadcast_in_dim3A_414 = vector.broadcast %reduce_sum3A_411 : f32 to vector<16xf32>
      %select_n3A_415 = arith.select %eq3A_413, %broadcast_in_dim3A_414, %scan3A_397 : vector<16xi1>, vector<16xf32>
      scf.yield %select_n3A_415 : vector<16xf32>
    }
    %scan3A_35 = arith.constant 16 : i32
    %swap3A_36 = arith.constant 16 : index
    %swap3A_37 = tpu.vector_load %arg7[%swap3A_36] {strides = array<i32>} : memref<32xf32, #tpu.memory_space<vmem>>, vector<16xf32>,
    tpu.vector_store %arg7[%swap3A_36], %scan3A_34 {strides = array<i32>} : memref<32xf32, #tpu.memory_space<vmem>>, vector<16xf32>,
    %broadcast_in_dim3A_38 = arith.constant -1.000000e+00 : f32
    %broadcast_in_dim3A_39 = vector.broadcast %broadcast_in_dim3A_38 : f32 to vector<16xf32>
    %broadcast_in_dim3A_40 = arith.constant 1073741824 : i32
    %broadcast_in_dim3A_41 = vector.broadcast %broadcast_in_dim3A_40 : i32 to vector<16xi32>
    %broadcast_in_dim3A_42 = arith.constant -2.000000e+00 : f32
    %broadcast_in_dim3A_43 = vector.broadcast %broadcast_in_dim3A_42 : f32 to vector<16xf32>
    %broadcast_in_dim3A_44 = arith.constant 1073741824 : i32
    %broadcast_in_dim3A_45 = vector.broadcast %broadcast_in_dim3A_44 : i32 to vector<16xi32>
    %scan3A_46 = arith.constant 0 : i32
    %scan3A_47 = arith.constant 2 : i32
    %scan3A_48 = arith.addi %scan3A_46, %scan3A_47 : i32
    %scan3A_49 = arith.constant 1 : i32
    %scan3A_50:2 = scf.for %scan3A_396 = %scan3A_46 to %scan3A_48 step %scan3A_49 iter_args(%scan3A_397 = %broadcast_in_dim3A_43, %scan3A_398 = %broadcast_in_dim3A_45) -> (vector<16xf32>, vector<16xi32>)  : i32 {
      %mul3A_399 = arith.constant 16 : i32
      %mul3A_400 = arith.muli %scan3A_396, %mul3A_399 : i32
      %get3A = arith.index_cast %mul3A_400 : i32 to index
      %get3A_401 = tpu.vector_load %arg7[%get3A] {strides = array<i32>} : memref<32xf32, #tpu.memory_space<vmem>>, vector<16xf32>,
      %mul3A_402 = arith.constant 16 : i32
      %mul3A_403 = arith.muli %scan3A_396, %mul3A_402 : i32
      %add3A_404 = arith.addi %mul3A_2, %mul3A_403 : i32
      %add3A_405 = vector.broadcast %add3A_404 : i32 to vector<16xi32>
      %add3A_406 = arith.addi %add3A_405, %iota3A : vector<16xi32>
      %gt3A = arith.cmpf ogt, %get3A_401, %scan3A_397 : vector<16xf32>
      %eq3A_407 = arith.cmpf oeq, %get3A_401, %scan3A_397 : vector<16xf32>
      %lt3A = arith.cmpi slt, %add3A_406, %scan3A_398 : vector<16xi32>
      %and3A = arith.andi %eq3A_407, %lt3A : vector<16xi1>
      %or3A = arith.ori %gt3A, %and3A : vector<16xi1>
      %select_n3A_408 = arith.select %or3A, %get3A_401, %scan3A_397 : vector<16xi1>, vector<16xf32>
      %select_n3A_409 = arith.select %or3A, %add3A_406, %scan3A_398 : vector<16xi1>, vector<16xi32>
      scf.yield %select_n3A_408, %select_n3A_409 : vector<16xf32>, vector<16xi32>
    }
    %scan3A_51 = arith.constant 2 : i32
    %reduce_max3A = arith.constant true
    %reduce_max3A_52 = vector.broadcast %reduce_max3A : i1 to vector<16xi1>
    %reduce_max3A_53 = tpu.scan <max>, %scan3A_50#0 masked %reduce_max3A_52 : vector<16xf32>, vector<16xi1> -> vector<16xf32>
    %reduce_max3A_54 = vector.extract %reduce_max3A_53[15] : f32 from vector<16xf32>
    %eq3A = vector.broadcast %reduce_max3A_54 : f32 to vector<16xf32>
    %eq3A_55 = arith.cmpf oeq, %scan3A_50#0, %eq3A : vector<16xf32>
    %jit3A = arith.constant 1073741824 : i32
    %broadcast_in_dim3A_56 = vector.broadcast %jit3A : i32 to vector<16xi32>
    %select_n3A = arith.select %eq3A_55, %scan3A_50#1, %broadcast_in_dim3A_56 : vector<16xi1>, vector<16xi32>
    %reduce_min3A = arith.constant true
    %reduce_min3A_57 = vector.broadcast %reduce_min3A : i1 to vector<16xi1>
    %reduce_min3A_58 = arith.constant -2147483648 : i32
    %reduce_min3A_59 = vector.broadcast %reduce_min3A_58 : i32 to vector<16xi32>
    %reduce_min3A_60 = arith.xori %select_n3A, %reduce_min3A_59 : vector<16xi32>
    %reduce_min3A_61 = tpu.scan <min>, %reduce_min3A_60 masked %reduce_min3A_57 : vector<16xi32>, vector<16xi1> -> vector<16xi32>
    %reduce_min3A_62 = arith.xori %reduce_min3A_61, %reduce_min3A_59 : vector<16xi32>
    %reduce_min3A_63 = vector.extract %reduce_min3A_62[15] : i32 from vector<16xi32>
    %eq3A_64 = arith.constant 0 : i32
    %eq3A_65 = vector.broadcast %eq3A_64 : i32 to vector<16xi32>
    %eq3A_66 = arith.cmpi eq, %iota3A, %eq3A_65 : vector<16xi32>
    %broadcast_in_dim3A_67 = vector.broadcast %reduce_max3A_54 : f32 to vector<16xf32>
    %select_n3A_68 = arith.select %eq3A_66, %broadcast_in_dim3A_67, %broadcast_in_dim3A_39 : vector<16xi1>, vector<16xf32>
    %eq3A_69 = arith.constant 0 : i32
    %eq3A_70 = vector.broadcast %eq3A_69 : i32 to vector<16xi32>
    %eq3A_71 = arith.cmpi eq, %iota3A, %eq3A_70 : vector<16xi32>
    %broadcast_in_dim3A_72 = vector.broadcast %reduce_min3A_63 : i32 to vector<16xi32>
    %select_n3A_73 = arith.select %eq3A_71, %broadcast_in_dim3A_72, %broadcast_in_dim3A_41 : vector<16xi1>, vector<16xi32>
    %sub3A = arith.subi %reduce_min3A_63, %mul3A_2 : i32
    %broadcast_in_dim3A_74 = vector.broadcast %sub3A : i32 to vector<16xi32>
    %broadcast_in_dim3A_75 = arith.constant -1.000000e+00 : f32
    %broadcast_in_dim3A_76 = vector.broadcast %broadcast_in_dim3A_75 : f32 to vector<16xf32>
    %eq3A_77 = arith.constant 0 : i32
    %eq3A_78 = vector.broadcast %eq3A_77 : i32 to vector<16xi32>
    %eq3A_79 = arith.cmpi eq, %iota3A, %eq3A_78 : vector<16xi32>
    tpu.vector_store_idx %arg7[%broadcast_in_dim3A_74], %broadcast_in_dim3A_76 masked %eq3A_79 : memref<32xf32, #tpu.memory_space<vmem>>[vector<16xi32>], vector<16xf32>, vector<16xi1>
    %broadcast_in_dim3A_80 = arith.constant -2.000000e+00 : f32
    %broadcast_in_dim3A_81 = vector.broadcast %broadcast_in_dim3A_80 : f32 to vector<16xf32>
    %broadcast_in_dim3A_82 = arith.constant 1073741824 : i32
    %broadcast_in_dim3A_83 = vector.broadcast %broadcast_in_dim3A_82 : i32 to vector<16xi32>
    %scan3A_84 = arith.constant 0 : i32
    %scan3A_85 = arith.constant 2 : i32
    %scan3A_86 = arith.addi %scan3A_84, %scan3A_85 : i32
    %scan3A_87 = arith.constant 1 : i32
    %scan3A_88:2 = scf.for %scan3A_396 = %scan3A_84 to %scan3A_86 step %scan3A_87 iter_args(%scan3A_397 = %broadcast_in_dim3A_81, %scan3A_398 = %broadcast_in_dim3A_83) -> (vector<16xf32>, vector<16xi32>)  : i32 {
      %mul3A_399 = arith.constant 16 : i32
      %mul3A_400 = arith.muli %scan3A_396, %mul3A_399 : i32
      %get3A = arith.index_cast %mul3A_400 : i32 to index
      %get3A_401 = tpu.vector_load %arg7[%get3A] {strides = array<i32>} : memref<32xf32, #tpu.memory_space<vmem>>, vector<16xf32>,
      %mul3A_402 = arith.constant 16 : i32
      %mul3A_403 = arith.muli %scan3A_396, %mul3A_402 : i32
      %add3A_404 = arith.addi %mul3A_2, %mul3A_403 : i32
      %add3A_405 = vector.broadcast %add3A_404 : i32 to vector<16xi32>
      %add3A_406 = arith.addi %add3A_405, %iota3A : vector<16xi32>
      %gt3A = arith.cmpf ogt, %get3A_401, %scan3A_397 : vector<16xf32>
      %eq3A_407 = arith.cmpf oeq, %get3A_401, %scan3A_397 : vector<16xf32>
      %lt3A = arith.cmpi slt, %add3A_406, %scan3A_398 : vector<16xi32>
      %and3A = arith.andi %eq3A_407, %lt3A : vector<16xi1>
      %or3A = arith.ori %gt3A, %and3A : vector<16xi1>
      %select_n3A_408 = arith.select %or3A, %get3A_401, %scan3A_397 : vector<16xi1>, vector<16xf32>
      %select_n3A_409 = arith.select %or3A, %add3A_406, %scan3A_398 : vector<16xi1>, vector<16xi32>
      scf.yield %select_n3A_408, %select_n3A_409 : vector<16xf32>, vector<16xi32>
    }
    %scan3A_89 = arith.constant 2 : i32
    %reduce_max3A_90 = arith.constant true
    %reduce_max3A_91 = vector.broadcast %reduce_max3A_90 : i1 to vector<16xi1>
    %reduce_max3A_92 = tpu.scan <max>, %scan3A_88#0 masked %reduce_max3A_91 : vector<16xf32>, vector<16xi1> -> vector<16xf32>
    %reduce_max3A_93 = vector.extract %reduce_max3A_92[15] : f32 from vector<16xf32>
    %eq3A_94 = vector.broadcast %reduce_max3A_93 : f32 to vector<16xf32>
    %eq3A_95 = arith.cmpf oeq, %scan3A_88#0, %eq3A_94 : vector<16xf32>
    %jit3A_96 = arith.constant 1073741824 : i32
    %broadcast_in_dim3A_97 = vector.broadcast %jit3A_96 : i32 to vector<16xi32>
    %select_n3A_98 = arith.select %eq3A_95, %scan3A_88#1, %broadcast_in_dim3A_97 : vector<16xi1>, vector<16xi32>
    %reduce_min3A_99 = arith.constant true
    %reduce_min3A_100 = vector.broadcast %reduce_min3A_99 : i1 to vector<16xi1>
    %reduce_min3A_101 = arith.constant -2147483648 : i32
    %reduce_min3A_102 = vector.broadcast %reduce_min3A_101 : i32 to vector<16xi32>
    %reduce_min3A_103 = arith.xori %select_n3A_98, %reduce_min3A_102 : vector<16xi32>
    %reduce_min3A_104 = tpu.scan <min>, %reduce_min3A_103 masked %reduce_min3A_100 : vector<16xi32>, vector<16xi1> -> vector<16xi32>
    %reduce_min3A_105 = arith.xori %reduce_min3A_104, %reduce_min3A_102 : vector<16xi32>
    %reduce_min3A_106 = vector.extract %reduce_min3A_105[15] : i32 from vector<16xi32>
    %eq3A_107 = arith.constant 1 : i32
    %eq3A_108 = vector.broadcast %eq3A_107 : i32 to vector<16xi32>
    %eq3A_109 = arith.cmpi eq, %iota3A, %eq3A_108 : vector<16xi32>
    %broadcast_in_dim3A_110 = vector.broadcast %reduce_max3A_93 : f32 to vector<16xf32>
    %select_n3A_111 = arith.select %eq3A_109, %broadcast_in_dim3A_110, %select_n3A_68 : vector<16xi1>, vector<16xf32>
    %eq3A_112 = arith.constant 1 : i32
    %eq3A_113 = vector.broadcast %eq3A_112 : i32 to vector<16xi32>
    %eq3A_114 = arith.cmpi eq, %iota3A, %eq3A_113 : vector<16xi32>
    %broadcast_in_dim3A_115 = vector.broadcast %reduce_min3A_106 : i32 to vector<16xi32>
    %select_n3A_116 = arith.select %eq3A_114, %broadcast_in_dim3A_115, %select_n3A_73 : vector<16xi1>, vector<16xi32>
    %sub3A_117 = arith.subi %reduce_min3A_106, %mul3A_2 : i32
    %broadcast_in_dim3A_118 = vector.broadcast %sub3A_117 : i32 to vector<16xi32>
    %broadcast_in_dim3A_119 = arith.constant -1.000000e+00 : f32
    %broadcast_in_dim3A_120 = vector.broadcast %broadcast_in_dim3A_119 : f32 to vector<16xf32>
    %eq3A_121 = arith.constant 0 : i32
    %eq3A_122 = vector.broadcast %eq3A_121 : i32 to vector<16xi32>
    %eq3A_123 = arith.cmpi eq, %iota3A, %eq3A_122 : vector<16xi32>
    tpu.vector_store_idx %arg7[%broadcast_in_dim3A_118], %broadcast_in_dim3A_120 masked %eq3A_123 : memref<32xf32, #tpu.memory_space<vmem>>[vector<16xi32>], vector<16xf32>, vector<16xi1>
    %broadcast_in_dim3A_124 = arith.constant -2.000000e+00 : f32
    %broadcast_in_dim3A_125 = vector.broadcast %broadcast_in_dim3A_124 : f32 to vector<16xf32>
    %broadcast_in_dim3A_126 = arith.constant 1073741824 : i32
    %broadcast_in_dim3A_127 = vector.broadcast %broadcast_in_dim3A_126 : i32 to vector<16xi32>
    %scan3A_128 = arith.constant 0 : i32
    %scan3A_129 = arith.constant 2 : i32
    %scan3A_130 = arith.addi %scan3A_128, %scan3A_129 : i32
    %scan3A_131 = arith.constant 1 : i32
    %scan3A_132:2 = scf.for %scan3A_396 = %scan3A_128 to %scan3A_130 step %scan3A_131 iter_args(%scan3A_397 = %broadcast_in_dim3A_125, %scan3A_398 = %broadcast_in_dim3A_127) -> (vector<16xf32>, vector<16xi32>)  : i32 {
      %mul3A_399 = arith.constant 16 : i32
      %mul3A_400 = arith.muli %scan3A_396, %mul3A_399 : i32
      %get3A = arith.index_cast %mul3A_400 : i32 to index
      %get3A_401 = tpu.vector_load %arg7[%get3A] {strides = array<i32>} : memref<32xf32, #tpu.memory_space<vmem>>, vector<16xf32>,
      %mul3A_402 = arith.constant 16 : i32
      %mul3A_403 = arith.muli %scan3A_396, %mul3A_402 : i32
      %add3A_404 = arith.addi %mul3A_2, %mul3A_403 : i32
      %add3A_405 = vector.broadcast %add3A_404 : i32 to vector<16xi32>
      %add3A_406 = arith.addi %add3A_405, %iota3A : vector<16xi32>
      %gt3A = arith.cmpf ogt, %get3A_401, %scan3A_397 : vector<16xf32>
      %eq3A_407 = arith.cmpf oeq, %get3A_401, %scan3A_397 : vector<16xf32>
      %lt3A = arith.cmpi slt, %add3A_406, %scan3A_398 : vector<16xi32>
      %and3A = arith.andi %eq3A_407, %lt3A : vector<16xi1>
      %or3A = arith.ori %gt3A, %and3A : vector<16xi1>
      %select_n3A_408 = arith.select %or3A, %get3A_401, %scan3A_397 : vector<16xi1>, vector<16xf32>
      %select_n3A_409 = arith.select %or3A, %add3A_406, %scan3A_398 : vector<16xi1>, vector<16xi32>
      scf.yield %select_n3A_408, %select_n3A_409 : vector<16xf32>, vector<16xi32>
    }
    %scan3A_133 = arith.constant 2 : i32
    %reduce_max3A_134 = arith.constant true
    %reduce_max3A_135 = vector.broadcast %reduce_max3A_134 : i1 to vector<16xi1>
    %reduce_max3A_136 = tpu.scan <max>, %scan3A_132#0 masked %reduce_max3A_135 : vector<16xf32>, vector<16xi1> -> vector<16xf32>
    %reduce_max3A_137 = vector.extract %reduce_max3A_136[15] : f32 from vector<16xf32>
    %eq3A_138 = vector.broadcast %reduce_max3A_137 : f32 to vector<16xf32>
    %eq3A_139 = arith.cmpf oeq, %scan3A_132#0, %eq3A_138 : vector<16xf32>
    %jit3A_140 = arith.constant 1073741824 : i32
    %broadcast_in_dim3A_141 = vector.broadcast %jit3A_140 : i32 to vector<16xi32>
    %select_n3A_142 = arith.select %eq3A_139, %scan3A_132#1, %broadcast_in_dim3A_141 : vector<16xi1>, vector<16xi32>
    %reduce_min3A_143 = arith.constant true
    %reduce_min3A_144 = vector.broadcast %reduce_min3A_143 : i1 to vector<16xi1>
    %reduce_min3A_145 = arith.constant -2147483648 : i32
    %reduce_min3A_146 = vector.broadcast %reduce_min3A_145 : i32 to vector<16xi32>
    %reduce_min3A_147 = arith.xori %select_n3A_142, %reduce_min3A_146 : vector<16xi32>
    %reduce_min3A_148 = tpu.scan <min>, %reduce_min3A_147 masked %reduce_min3A_144 : vector<16xi32>, vector<16xi1> -> vector<16xi32>
    %reduce_min3A_149 = arith.xori %reduce_min3A_148, %reduce_min3A_146 : vector<16xi32>
    %reduce_min3A_150 = vector.extract %reduce_min3A_149[15] : i32 from vector<16xi32>
    %eq3A_151 = arith.constant 2 : i32
    %eq3A_152 = vector.broadcast %eq3A_151 : i32 to vector<16xi32>
    %eq3A_153 = arith.cmpi eq, %iota3A, %eq3A_152 : vector<16xi32>
    %broadcast_in_dim3A_154 = vector.broadcast %reduce_max3A_137 : f32 to vector<16xf32>
    %select_n3A_155 = arith.select %eq3A_153, %broadcast_in_dim3A_154, %select_n3A_111 : vector<16xi1>, vector<16xf32>
    %eq3A_156 = arith.constant 2 : i32
    %eq3A_157 = vector.broadcast %eq3A_156 : i32 to vector<16xi32>
    %eq3A_158 = arith.cmpi eq, %iota3A, %eq3A_157 : vector<16xi32>
    %broadcast_in_dim3A_159 = vector.broadcast %reduce_min3A_150 : i32 to vector<16xi32>
    %select_n3A_160 = arith.select %eq3A_158, %broadcast_in_dim3A_159, %select_n3A_116 : vector<16xi1>, vector<16xi32>
    %sub3A_161 = arith.subi %reduce_min3A_150, %mul3A_2 : i32
    %broadcast_in_dim3A_162 = vector.broadcast %sub3A_161 : i32 to vector<16xi32>
    %broadcast_in_dim3A_163 = arith.constant -1.000000e+00 : f32
    %broadcast_in_dim3A_164 = vector.broadcast %broadcast_in_dim3A_163 : f32 to vector<16xf32>
    %eq3A_165 = arith.constant 0 : i32
    %eq3A_166 = vector.broadcast %eq3A_165 : i32 to vector<16xi32>
    %eq3A_167 = arith.cmpi eq, %iota3A, %eq3A_166 : vector<16xi32>
    tpu.vector_store_idx %arg7[%broadcast_in_dim3A_162], %broadcast_in_dim3A_164 masked %eq3A_167 : memref<32xf32, #tpu.memory_space<vmem>>[vector<16xi32>], vector<16xf32>, vector<16xi1>
    %broadcast_in_dim3A_168 = arith.constant -2.000000e+00 : f32
    %broadcast_in_dim3A_169 = vector.broadcast %broadcast_in_dim3A_168 : f32 to vector<16xf32>
    %broadcast_in_dim3A_170 = arith.constant 1073741824 : i32
    %broadcast_in_dim3A_171 = vector.broadcast %broadcast_in_dim3A_170 : i32 to vector<16xi32>
    %scan3A_172 = arith.constant 0 : i32
    %scan3A_173 = arith.constant 2 : i32
    %scan3A_174 = arith.addi %scan3A_172, %scan3A_173 : i32
    %scan3A_175 = arith.constant 1 : i32
    %scan3A_176:2 = scf.for %scan3A_396 = %scan3A_172 to %scan3A_174 step %scan3A_175 iter_args(%scan3A_397 = %broadcast_in_dim3A_169, %scan3A_398 = %broadcast_in_dim3A_171) -> (vector<16xf32>, vector<16xi32>)  : i32 {
      %mul3A_399 = arith.constant 16 : i32
      %mul3A_400 = arith.muli %scan3A_396, %mul3A_399 : i32
      %get3A = arith.index_cast %mul3A_400 : i32 to index
      %get3A_401 = tpu.vector_load %arg7[%get3A] {strides = array<i32>} : memref<32xf32, #tpu.memory_space<vmem>>, vector<16xf32>,
      %mul3A_402 = arith.constant 16 : i32
      %mul3A_403 = arith.muli %scan3A_396, %mul3A_402 : i32
      %add3A_404 = arith.addi %mul3A_2, %mul3A_403 : i32
      %add3A_405 = vector.broadcast %add3A_404 : i32 to vector<16xi32>
      %add3A_406 = arith.addi %add3A_405, %iota3A : vector<16xi32>
      %gt3A = arith.cmpf ogt, %get3A_401, %scan3A_397 : vector<16xf32>
      %eq3A_407 = arith.cmpf oeq, %get3A_401, %scan3A_397 : vector<16xf32>
      %lt3A = arith.cmpi slt, %add3A_406, %scan3A_398 : vector<16xi32>
      %and3A = arith.andi %eq3A_407, %lt3A : vector<16xi1>
      %or3A = arith.ori %gt3A, %and3A : vector<16xi1>
      %select_n3A_408 = arith.select %or3A, %get3A_401, %scan3A_397 : vector<16xi1>, vector<16xf32>
      %select_n3A_409 = arith.select %or3A, %add3A_406, %scan3A_398 : vector<16xi1>, vector<16xi32>
      scf.yield %select_n3A_408, %select_n3A_409 : vector<16xf32>, vector<16xi32>
    }
    %scan3A_177 = arith.constant 2 : i32
    %reduce_max3A_178 = arith.constant true
    %reduce_max3A_179 = vector.broadcast %reduce_max3A_178 : i1 to vector<16xi1>
    %reduce_max3A_180 = tpu.scan <max>, %scan3A_176#0 masked %reduce_max3A_179 : vector<16xf32>, vector<16xi1> -> vector<16xf32>
    %reduce_max3A_181 = vector.extract %reduce_max3A_180[15] : f32 from vector<16xf32>
    %eq3A_182 = vector.broadcast %reduce_max3A_181 : f32 to vector<16xf32>
    %eq3A_183 = arith.cmpf oeq, %scan3A_176#0, %eq3A_182 : vector<16xf32>
    %jit3A_184 = arith.constant 1073741824 : i32
    %broadcast_in_dim3A_185 = vector.broadcast %jit3A_184 : i32 to vector<16xi32>
    %select_n3A_186 = arith.select %eq3A_183, %scan3A_176#1, %broadcast_in_dim3A_185 : vector<16xi1>, vector<16xi32>
    %reduce_min3A_187 = arith.constant true
    %reduce_min3A_188 = vector.broadcast %reduce_min3A_187 : i1 to vector<16xi1>
    %reduce_min3A_189 = arith.constant -2147483648 : i32
    %reduce_min3A_190 = vector.broadcast %reduce_min3A_189 : i32 to vector<16xi32>
    %reduce_min3A_191 = arith.xori %select_n3A_186, %reduce_min3A_190 : vector<16xi32>
    %reduce_min3A_192 = tpu.scan <min>, %reduce_min3A_191 masked %reduce_min3A_188 : vector<16xi32>, vector<16xi1> -> vector<16xi32>
    %reduce_min3A_193 = arith.xori %reduce_min3A_192, %reduce_min3A_190 : vector<16xi32>
    %reduce_min3A_194 = vector.extract %reduce_min3A_193[15] : i32 from vector<16xi32>
    %eq3A_195 = arith.constant 3 : i32
    %eq3A_196 = vector.broadcast %eq3A_195 : i32 to vector<16xi32>
    %eq3A_197 = arith.cmpi eq, %iota3A, %eq3A_196 : vector<16xi32>
    %broadcast_in_dim3A_198 = vector.broadcast %reduce_max3A_181 : f32 to vector<16xf32>
    %select_n3A_199 = arith.select %eq3A_197, %broadcast_in_dim3A_198, %select_n3A_155 : vector<16xi1>, vector<16xf32>
    %eq3A_200 = arith.constant 3 : i32
    %eq3A_201 = vector.broadcast %eq3A_200 : i32 to vector<16xi32>
    %eq3A_202 = arith.cmpi eq, %iota3A, %eq3A_201 : vector<16xi32>
    %broadcast_in_dim3A_203 = vector.broadcast %reduce_min3A_194 : i32 to vector<16xi32>
    %select_n3A_204 = arith.select %eq3A_202, %broadcast_in_dim3A_203, %select_n3A_160 : vector<16xi1>, vector<16xi32>
    %sub3A_205 = arith.subi %reduce_min3A_194, %mul3A_2 : i32
    %broadcast_in_dim3A_206 = vector.broadcast %sub3A_205 : i32 to vector<16xi32>
    %broadcast_in_dim3A_207 = arith.constant -1.000000e+00 : f32
    %broadcast_in_dim3A_208 = vector.broadcast %broadcast_in_dim3A_207 : f32 to vector<16xf32>
    %eq3A_209 = arith.constant 0 : i32
    %eq3A_210 = vector.broadcast %eq3A_209 : i32 to vector<16xi32>
    %eq3A_211 = arith.cmpi eq, %iota3A, %eq3A_210 : vector<16xi32>
    tpu.vector_store_idx %arg7[%broadcast_in_dim3A_206], %broadcast_in_dim3A_208 masked %eq3A_211 : memref<32xf32, #tpu.memory_space<vmem>>[vector<16xi32>], vector<16xf32>, vector<16xi1>
    %broadcast_in_dim3A_212 = arith.constant -2.000000e+00 : f32
    %broadcast_in_dim3A_213 = vector.broadcast %broadcast_in_dim3A_212 : f32 to vector<16xf32>
    %broadcast_in_dim3A_214 = arith.constant 1073741824 : i32
    %broadcast_in_dim3A_215 = vector.broadcast %broadcast_in_dim3A_214 : i32 to vector<16xi32>
    %scan3A_216 = arith.constant 0 : i32
    %scan3A_217 = arith.constant 2 : i32
    %scan3A_218 = arith.addi %scan3A_216, %scan3A_217 : i32
    %scan3A_219 = arith.constant 1 : i32
    %scan3A_220:2 = scf.for %scan3A_396 = %scan3A_216 to %scan3A_218 step %scan3A_219 iter_args(%scan3A_397 = %broadcast_in_dim3A_213, %scan3A_398 = %broadcast_in_dim3A_215) -> (vector<16xf32>, vector<16xi32>)  : i32 {
      %mul3A_399 = arith.constant 16 : i32
      %mul3A_400 = arith.muli %scan3A_396, %mul3A_399 : i32
      %get3A = arith.index_cast %mul3A_400 : i32 to index
      %get3A_401 = tpu.vector_load %arg7[%get3A] {strides = array<i32>} : memref<32xf32, #tpu.memory_space<vmem>>, vector<16xf32>,
      %mul3A_402 = arith.constant 16 : i32
      %mul3A_403 = arith.muli %scan3A_396, %mul3A_402 : i32
      %add3A_404 = arith.addi %mul3A_2, %mul3A_403 : i32
      %add3A_405 = vector.broadcast %add3A_404 : i32 to vector<16xi32>
      %add3A_406 = arith.addi %add3A_405, %iota3A : vector<16xi32>
      %gt3A = arith.cmpf ogt, %get3A_401, %scan3A_397 : vector<16xf32>
      %eq3A_407 = arith.cmpf oeq, %get3A_401, %scan3A_397 : vector<16xf32>
      %lt3A = arith.cmpi slt, %add3A_406, %scan3A_398 : vector<16xi32>
      %and3A = arith.andi %eq3A_407, %lt3A : vector<16xi1>
      %or3A = arith.ori %gt3A, %and3A : vector<16xi1>
      %select_n3A_408 = arith.select %or3A, %get3A_401, %scan3A_397 : vector<16xi1>, vector<16xf32>
      %select_n3A_409 = arith.select %or3A, %add3A_406, %scan3A_398 : vector<16xi1>, vector<16xi32>
      scf.yield %select_n3A_408, %select_n3A_409 : vector<16xf32>, vector<16xi32>
    }
    %scan3A_221 = arith.constant 2 : i32
    %reduce_max3A_222 = arith.constant true
    %reduce_max3A_223 = vector.broadcast %reduce_max3A_222 : i1 to vector<16xi1>
    %reduce_max3A_224 = tpu.scan <max>, %scan3A_220#0 masked %reduce_max3A_223 : vector<16xf32>, vector<16xi1> -> vector<16xf32>
    %reduce_max3A_225 = vector.extract %reduce_max3A_224[15] : f32 from vector<16xf32>
    %eq3A_226 = vector.broadcast %reduce_max3A_225 : f32 to vector<16xf32>
    %eq3A_227 = arith.cmpf oeq, %scan3A_220#0, %eq3A_226 : vector<16xf32>
    %jit3A_228 = arith.constant 1073741824 : i32
    %broadcast_in_dim3A_229 = vector.broadcast %jit3A_228 : i32 to vector<16xi32>
    %select_n3A_230 = arith.select %eq3A_227, %scan3A_220#1, %broadcast_in_dim3A_229 : vector<16xi1>, vector<16xi32>
    %reduce_min3A_231 = arith.constant true
    %reduce_min3A_232 = vector.broadcast %reduce_min3A_231 : i1 to vector<16xi1>
    %reduce_min3A_233 = arith.constant -2147483648 : i32
    %reduce_min3A_234 = vector.broadcast %reduce_min3A_233 : i32 to vector<16xi32>
    %reduce_min3A_235 = arith.xori %select_n3A_230, %reduce_min3A_234 : vector<16xi32>
    %reduce_min3A_236 = tpu.scan <min>, %reduce_min3A_235 masked %reduce_min3A_232 : vector<16xi32>, vector<16xi1> -> vector<16xi32>
    %reduce_min3A_237 = arith.xori %reduce_min3A_236, %reduce_min3A_234 : vector<16xi32>
    %reduce_min3A_238 = vector.extract %reduce_min3A_237[15] : i32 from vector<16xi32>
    %eq3A_239 = arith.constant 4 : i32
    %eq3A_240 = vector.broadcast %eq3A_239 : i32 to vector<16xi32>
    %eq3A_241 = arith.cmpi eq, %iota3A, %eq3A_240 : vector<16xi32>
    %broadcast_in_dim3A_242 = vector.broadcast %reduce_max3A_225 : f32 to vector<16xf32>
    %select_n3A_243 = arith.select %eq3A_241, %broadcast_in_dim3A_242, %select_n3A_199 : vector<16xi1>, vector<16xf32>
    %eq3A_244 = arith.constant 4 : i32
    %eq3A_245 = vector.broadcast %eq3A_244 : i32 to vector<16xi32>
    %eq3A_246 = arith.cmpi eq, %iota3A, %eq3A_245 : vector<16xi32>
    %broadcast_in_dim3A_247 = vector.broadcast %reduce_min3A_238 : i32 to vector<16xi32>
    %select_n3A_248 = arith.select %eq3A_246, %broadcast_in_dim3A_247, %select_n3A_204 : vector<16xi1>, vector<16xi32>
    %sub3A_249 = arith.subi %reduce_min3A_238, %mul3A_2 : i32
    %broadcast_in_dim3A_250 = vector.broadcast %sub3A_249 : i32 to vector<16xi32>
    %broadcast_in_dim3A_251 = arith.constant -1.000000e+00 : f32
    %broadcast_in_dim3A_252 = vector.broadcast %broadcast_in_dim3A_251 : f32 to vector<16xf32>
    %eq3A_253 = arith.constant 0 : i32
    %eq3A_254 = vector.broadcast %eq3A_253 : i32 to vector<16xi32>
    %eq3A_255 = arith.cmpi eq, %iota3A, %eq3A_254 : vector<16xi32>
    tpu.vector_store_idx %arg7[%broadcast_in_dim3A_250], %broadcast_in_dim3A_252 masked %eq3A_255 : memref<32xf32, #tpu.memory_space<vmem>>[vector<16xi32>], vector<16xf32>, vector<16xi1>
    %broadcast_in_dim3A_256 = arith.constant -2.000000e+00 : f32
    %broadcast_in_dim3A_257 = vector.broadcast %broadcast_in_dim3A_256 : f32 to vector<16xf32>
    %broadcast_in_dim3A_258 = arith.constant 1073741824 : i32
    %broadcast_in_dim3A_259 = vector.broadcast %broadcast_in_dim3A_258 : i32 to vector<16xi32>
    %scan3A_260 = arith.constant 0 : i32
    %scan3A_261 = arith.constant 2 : i32
    %scan3A_262 = arith.addi %scan3A_260, %scan3A_261 : i32
    %scan3A_263 = arith.constant 1 : i32
    %scan3A_264:2 = scf.for %scan3A_396 = %scan3A_260 to %scan3A_262 step %scan3A_263 iter_args(%scan3A_397 = %broadcast_in_dim3A_257, %scan3A_398 = %broadcast_in_dim3A_259) -> (vector<16xf32>, vector<16xi32>)  : i32 {
      %mul3A_399 = arith.constant 16 : i32
      %mul3A_400 = arith.muli %scan3A_396, %mul3A_399 : i32
      %get3A = arith.index_cast %mul3A_400 : i32 to index
      %get3A_401 = tpu.vector_load %arg7[%get3A] {strides = array<i32>} : memref<32xf32, #tpu.memory_space<vmem>>, vector<16xf32>,
      %mul3A_402 = arith.constant 16 : i32
      %mul3A_403 = arith.muli %scan3A_396, %mul3A_402 : i32
      %add3A_404 = arith.addi %mul3A_2, %mul3A_403 : i32
      %add3A_405 = vector.broadcast %add3A_404 : i32 to vector<16xi32>
      %add3A_406 = arith.addi %add3A_405, %iota3A : vector<16xi32>
      %gt3A = arith.cmpf ogt, %get3A_401, %scan3A_397 : vector<16xf32>
      %eq3A_407 = arith.cmpf oeq, %get3A_401, %scan3A_397 : vector<16xf32>
      %lt3A = arith.cmpi slt, %add3A_406, %scan3A_398 : vector<16xi32>
      %and3A = arith.andi %eq3A_407, %lt3A : vector<16xi1>
      %or3A = arith.ori %gt3A, %and3A : vector<16xi1>
      %select_n3A_408 = arith.select %or3A, %get3A_401, %scan3A_397 : vector<16xi1>, vector<16xf32>
      %select_n3A_409 = arith.select %or3A, %add3A_406, %scan3A_398 : vector<16xi1>, vector<16xi32>
      scf.yield %select_n3A_408, %select_n3A_409 : vector<16xf32>, vector<16xi32>
    }
    %scan3A_265 = arith.constant 2 : i32
    %reduce_max3A_266 = arith.constant true
    %reduce_max3A_267 = vector.broadcast %reduce_max3A_266 : i1 to vector<16xi1>
    %reduce_max3A_268 = tpu.scan <max>, %scan3A_264#0 masked %reduce_max3A_267 : vector<16xf32>, vector<16xi1> -> vector<16xf32>
    %reduce_max3A_269 = vector.extract %reduce_max3A_268[15] : f32 from vector<16xf32>
    %eq3A_270 = vector.broadcast %reduce_max3A_269 : f32 to vector<16xf32>
    %eq3A_271 = arith.cmpf oeq, %scan3A_264#0, %eq3A_270 : vector<16xf32>
    %jit3A_272 = arith.constant 1073741824 : i32
    %broadcast_in_dim3A_273 = vector.broadcast %jit3A_272 : i32 to vector<16xi32>
    %select_n3A_274 = arith.select %eq3A_271, %scan3A_264#1, %broadcast_in_dim3A_273 : vector<16xi1>, vector<16xi32>
    %reduce_min3A_275 = arith.constant true
    %reduce_min3A_276 = vector.broadcast %reduce_min3A_275 : i1 to vector<16xi1>
    %reduce_min3A_277 = arith.constant -2147483648 : i32
    %reduce_min3A_278 = vector.broadcast %reduce_min3A_277 : i32 to vector<16xi32>
    %reduce_min3A_279 = arith.xori %select_n3A_274, %reduce_min3A_278 : vector<16xi32>
    %reduce_min3A_280 = tpu.scan <min>, %reduce_min3A_279 masked %reduce_min3A_276 : vector<16xi32>, vector<16xi1> -> vector<16xi32>
    %reduce_min3A_281 = arith.xori %reduce_min3A_280, %reduce_min3A_278 : vector<16xi32>
    %reduce_min3A_282 = vector.extract %reduce_min3A_281[15] : i32 from vector<16xi32>
    %eq3A_283 = arith.constant 5 : i32
    %eq3A_284 = vector.broadcast %eq3A_283 : i32 to vector<16xi32>
    %eq3A_285 = arith.cmpi eq, %iota3A, %eq3A_284 : vector<16xi32>
    %broadcast_in_dim3A_286 = vector.broadcast %reduce_max3A_269 : f32 to vector<16xf32>
    %select_n3A_287 = arith.select %eq3A_285, %broadcast_in_dim3A_286, %select_n3A_243 : vector<16xi1>, vector<16xf32>
    %eq3A_288 = arith.constant 5 : i32
    %eq3A_289 = vector.broadcast %eq3A_288 : i32 to vector<16xi32>
    %eq3A_290 = arith.cmpi eq, %iota3A, %eq3A_289 : vector<16xi32>
    %broadcast_in_dim3A_291 = vector.broadcast %reduce_min3A_282 : i32 to vector<16xi32>
    %select_n3A_292 = arith.select %eq3A_290, %broadcast_in_dim3A_291, %select_n3A_248 : vector<16xi1>, vector<16xi32>
    %sub3A_293 = arith.subi %reduce_min3A_282, %mul3A_2 : i32
    %broadcast_in_dim3A_294 = vector.broadcast %sub3A_293 : i32 to vector<16xi32>
    %broadcast_in_dim3A_295 = arith.constant -1.000000e+00 : f32
    %broadcast_in_dim3A_296 = vector.broadcast %broadcast_in_dim3A_295 : f32 to vector<16xf32>
    %eq3A_297 = arith.constant 0 : i32
    %eq3A_298 = vector.broadcast %eq3A_297 : i32 to vector<16xi32>
    %eq3A_299 = arith.cmpi eq, %iota3A, %eq3A_298 : vector<16xi32>
    tpu.vector_store_idx %arg7[%broadcast_in_dim3A_294], %broadcast_in_dim3A_296 masked %eq3A_299 : memref<32xf32, #tpu.memory_space<vmem>>[vector<16xi32>], vector<16xf32>, vector<16xi1>
    %broadcast_in_dim3A_300 = arith.constant -2.000000e+00 : f32
    %broadcast_in_dim3A_301 = vector.broadcast %broadcast_in_dim3A_300 : f32 to vector<16xf32>
    %broadcast_in_dim3A_302 = arith.constant 1073741824 : i32
    %broadcast_in_dim3A_303 = vector.broadcast %broadcast_in_dim3A_302 : i32 to vector<16xi32>
    %scan3A_304 = arith.constant 0 : i32
    %scan3A_305 = arith.constant 2 : i32
    %scan3A_306 = arith.addi %scan3A_304, %scan3A_305 : i32
    %scan3A_307 = arith.constant 1 : i32
    %scan3A_308:2 = scf.for %scan3A_396 = %scan3A_304 to %scan3A_306 step %scan3A_307 iter_args(%scan3A_397 = %broadcast_in_dim3A_301, %scan3A_398 = %broadcast_in_dim3A_303) -> (vector<16xf32>, vector<16xi32>)  : i32 {
      %mul3A_399 = arith.constant 16 : i32
      %mul3A_400 = arith.muli %scan3A_396, %mul3A_399 : i32
      %get3A = arith.index_cast %mul3A_400 : i32 to index
      %get3A_401 = tpu.vector_load %arg7[%get3A] {strides = array<i32>} : memref<32xf32, #tpu.memory_space<vmem>>, vector<16xf32>,
      %mul3A_402 = arith.constant 16 : i32
      %mul3A_403 = arith.muli %scan3A_396, %mul3A_402 : i32
      %add3A_404 = arith.addi %mul3A_2, %mul3A_403 : i32
      %add3A_405 = vector.broadcast %add3A_404 : i32 to vector<16xi32>
      %add3A_406 = arith.addi %add3A_405, %iota3A : vector<16xi32>
      %gt3A = arith.cmpf ogt, %get3A_401, %scan3A_397 : vector<16xf32>
      %eq3A_407 = arith.cmpf oeq, %get3A_401, %scan3A_397 : vector<16xf32>
      %lt3A = arith.cmpi slt, %add3A_406, %scan3A_398 : vector<16xi32>
      %and3A = arith.andi %eq3A_407, %lt3A : vector<16xi1>
      %or3A = arith.ori %gt3A, %and3A : vector<16xi1>
      %select_n3A_408 = arith.select %or3A, %get3A_401, %scan3A_397 : vector<16xi1>, vector<16xf32>
      %select_n3A_409 = arith.select %or3A, %add3A_406, %scan3A_398 : vector<16xi1>, vector<16xi32>
      scf.yield %select_n3A_408, %select_n3A_409 : vector<16xf32>, vector<16xi32>
    }
    %scan3A_309 = arith.constant 2 : i32
    %reduce_max3A_310 = arith.constant true
    %reduce_max3A_311 = vector.broadcast %reduce_max3A_310 : i1 to vector<16xi1>
    %reduce_max3A_312 = tpu.scan <max>, %scan3A_308#0 masked %reduce_max3A_311 : vector<16xf32>, vector<16xi1> -> vector<16xf32>
    %reduce_max3A_313 = vector.extract %reduce_max3A_312[15] : f32 from vector<16xf32>
    %eq3A_314 = vector.broadcast %reduce_max3A_313 : f32 to vector<16xf32>
    %eq3A_315 = arith.cmpf oeq, %scan3A_308#0, %eq3A_314 : vector<16xf32>
    %jit3A_316 = arith.constant 1073741824 : i32
    %broadcast_in_dim3A_317 = vector.broadcast %jit3A_316 : i32 to vector<16xi32>
    %select_n3A_318 = arith.select %eq3A_315, %scan3A_308#1, %broadcast_in_dim3A_317 : vector<16xi1>, vector<16xi32>
    %reduce_min3A_319 = arith.constant true
    %reduce_min3A_320 = vector.broadcast %reduce_min3A_319 : i1 to vector<16xi1>
    %reduce_min3A_321 = arith.constant -2147483648 : i32
    %reduce_min3A_322 = vector.broadcast %reduce_min3A_321 : i32 to vector<16xi32>
    %reduce_min3A_323 = arith.xori %select_n3A_318, %reduce_min3A_322 : vector<16xi32>
    %reduce_min3A_324 = tpu.scan <min>, %reduce_min3A_323 masked %reduce_min3A_320 : vector<16xi32>, vector<16xi1> -> vector<16xi32>
    %reduce_min3A_325 = arith.xori %reduce_min3A_324, %reduce_min3A_322 : vector<16xi32>
    %reduce_min3A_326 = vector.extract %reduce_min3A_325[15] : i32 from vector<16xi32>
    %eq3A_327 = arith.constant 6 : i32
    %eq3A_328 = vector.broadcast %eq3A_327 : i32 to vector<16xi32>
    %eq3A_329 = arith.cmpi eq, %iota3A, %eq3A_328 : vector<16xi32>
    %broadcast_in_dim3A_330 = vector.broadcast %reduce_max3A_313 : f32 to vector<16xf32>
    %select_n3A_331 = arith.select %eq3A_329, %broadcast_in_dim3A_330, %select_n3A_287 : vector<16xi1>, vector<16xf32>
    %eq3A_332 = arith.constant 6 : i32
    %eq3A_333 = vector.broadcast %eq3A_332 : i32 to vector<16xi32>
    %eq3A_334 = arith.cmpi eq, %iota3A, %eq3A_333 : vector<16xi32>
    %broadcast_in_dim3A_335 = vector.broadcast %reduce_min3A_326 : i32 to vector<16xi32>
    %select_n3A_336 = arith.select %eq3A_334, %broadcast_in_dim3A_335, %select_n3A_292 : vector<16xi1>, vector<16xi32>
    %sub3A_337 = arith.subi %reduce_min3A_326, %mul3A_2 : i32
    %broadcast_in_dim3A_338 = vector.broadcast %sub3A_337 : i32 to vector<16xi32>
    %broadcast_in_dim3A_339 = arith.constant -1.000000e+00 : f32
    %broadcast_in_dim3A_340 = vector.broadcast %broadcast_in_dim3A_339 : f32 to vector<16xf32>
    %eq3A_341 = arith.constant 0 : i32
    %eq3A_342 = vector.broadcast %eq3A_341 : i32 to vector<16xi32>
    %eq3A_343 = arith.cmpi eq, %iota3A, %eq3A_342 : vector<16xi32>
    tpu.vector_store_idx %arg7[%broadcast_in_dim3A_338], %broadcast_in_dim3A_340 masked %eq3A_343 : memref<32xf32, #tpu.memory_space<vmem>>[vector<16xi32>], vector<16xf32>, vector<16xi1>
    %broadcast_in_dim3A_344 = arith.constant -2.000000e+00 : f32
    %broadcast_in_dim3A_345 = vector.broadcast %broadcast_in_dim3A_344 : f32 to vector<16xf32>
    %broadcast_in_dim3A_346 = arith.constant 1073741824 : i32
    %broadcast_in_dim3A_347 = vector.broadcast %broadcast_in_dim3A_346 : i32 to vector<16xi32>
    %scan3A_348 = arith.constant 0 : i32
    %scan3A_349 = arith.constant 2 : i32
    %scan3A_350 = arith.addi %scan3A_348, %scan3A_349 : i32
    %scan3A_351 = arith.constant 1 : i32
    %scan3A_352:2 = scf.for %scan3A_396 = %scan3A_348 to %scan3A_350 step %scan3A_351 iter_args(%scan3A_397 = %broadcast_in_dim3A_345, %scan3A_398 = %broadcast_in_dim3A_347) -> (vector<16xf32>, vector<16xi32>)  : i32 {
      %mul3A_399 = arith.constant 16 : i32
      %mul3A_400 = arith.muli %scan3A_396, %mul3A_399 : i32
      %get3A = arith.index_cast %mul3A_400 : i32 to index
      %get3A_401 = tpu.vector_load %arg7[%get3A] {strides = array<i32>} : memref<32xf32, #tpu.memory_space<vmem>>, vector<16xf32>,
      %mul3A_402 = arith.constant 16 : i32
      %mul3A_403 = arith.muli %scan3A_396, %mul3A_402 : i32
      %add3A_404 = arith.addi %mul3A_2, %mul3A_403 : i32
      %add3A_405 = vector.broadcast %add3A_404 : i32 to vector<16xi32>
      %add3A_406 = arith.addi %add3A_405, %iota3A : vector<16xi32>
      %gt3A = arith.cmpf ogt, %get3A_401, %scan3A_397 : vector<16xf32>
      %eq3A_407 = arith.cmpf oeq, %get3A_401, %scan3A_397 : vector<16xf32>
      %lt3A = arith.cmpi slt, %add3A_406, %scan3A_398 : vector<16xi32>
      %and3A = arith.andi %eq3A_407, %lt3A : vector<16xi1>
      %or3A = arith.ori %gt3A, %and3A : vector<16xi1>
      %select_n3A_408 = arith.select %or3A, %get3A_401, %scan3A_397 : vector<16xi1>, vector<16xf32>
      %select_n3A_409 = arith.select %or3A, %add3A_406, %scan3A_398 : vector<16xi1>, vector<16xi32>
      scf.yield %select_n3A_408, %select_n3A_409 : vector<16xf32>, vector<16xi32>
    }
    %scan3A_353 = arith.constant 2 : i32
    %reduce_max3A_354 = arith.constant true
    %reduce_max3A_355 = vector.broadcast %reduce_max3A_354 : i1 to vector<16xi1>
    %reduce_max3A_356 = tpu.scan <max>, %scan3A_352#0 masked %reduce_max3A_355 : vector<16xf32>, vector<16xi1> -> vector<16xf32>
    %reduce_max3A_357 = vector.extract %reduce_max3A_356[15] : f32 from vector<16xf32>
    %eq3A_358 = vector.broadcast %reduce_max3A_357 : f32 to vector<16xf32>
    %eq3A_359 = arith.cmpf oeq, %scan3A_352#0, %eq3A_358 : vector<16xf32>
    %jit3A_360 = arith.constant 1073741824 : i32
    %broadcast_in_dim3A_361 = vector.broadcast %jit3A_360 : i32 to vector<16xi32>
    %select_n3A_362 = arith.select %eq3A_359, %scan3A_352#1, %broadcast_in_dim3A_361 : vector<16xi1>, vector<16xi32>
    %reduce_min3A_363 = arith.constant true
    %reduce_min3A_364 = vector.broadcast %reduce_min3A_363 : i1 to vector<16xi1>
    %reduce_min3A_365 = arith.constant -2147483648 : i32
    %reduce_min3A_366 = vector.broadcast %reduce_min3A_365 : i32 to vector<16xi32>
    %reduce_min3A_367 = arith.xori %select_n3A_362, %reduce_min3A_366 : vector<16xi32>
    %reduce_min3A_368 = tpu.scan <min>, %reduce_min3A_367 masked %reduce_min3A_364 : vector<16xi32>, vector<16xi1> -> vector<16xi32>
    %reduce_min3A_369 = arith.xori %reduce_min3A_368, %reduce_min3A_366 : vector<16xi32>
    %reduce_min3A_370 = vector.extract %reduce_min3A_369[15] : i32 from vector<16xi32>
    %eq3A_371 = arith.constant 7 : i32
    %eq3A_372 = vector.broadcast %eq3A_371 : i32 to vector<16xi32>
    %eq3A_373 = arith.cmpi eq, %iota3A, %eq3A_372 : vector<16xi32>
    %broadcast_in_dim3A_374 = vector.broadcast %reduce_max3A_357 : f32 to vector<16xf32>
    %select_n3A_375 = arith.select %eq3A_373, %broadcast_in_dim3A_374, %select_n3A_331 : vector<16xi1>, vector<16xf32>
    %eq3A_376 = arith.constant 7 : i32
    %eq3A_377 = vector.broadcast %eq3A_376 : i32 to vector<16xi32>
    %eq3A_378 = arith.cmpi eq, %iota3A, %eq3A_377 : vector<16xi32>
    %broadcast_in_dim3A_379 = vector.broadcast %reduce_min3A_370 : i32 to vector<16xi32>
    %select_n3A_380 = arith.select %eq3A_378, %broadcast_in_dim3A_379, %select_n3A_336 : vector<16xi1>, vector<16xi32>
    %sub3A_381 = arith.subi %reduce_min3A_370, %mul3A_2 : i32
    %broadcast_in_dim3A_382 = vector.broadcast %sub3A_381 : i32 to vector<16xi32>
    %broadcast_in_dim3A_383 = arith.constant -1.000000e+00 : f32
    %broadcast_in_dim3A_384 = vector.broadcast %broadcast_in_dim3A_383 : f32 to vector<16xf32>
    %eq3A_385 = arith.constant 0 : i32
    %eq3A_386 = vector.broadcast %eq3A_385 : i32 to vector<16xi32>
    %eq3A_387 = arith.cmpi eq, %iota3A, %eq3A_386 : vector<16xi32>
    tpu.vector_store_idx %arg7[%broadcast_in_dim3A_382], %broadcast_in_dim3A_384 masked %eq3A_387 : memref<32xf32, #tpu.memory_space<vmem>>[vector<16xi32>], vector<16xf32>, vector<16xi1>
    %swap3A_388 = arith.constant 0 : index
    %swap3A_389 = tpu.vector_load %arg8[%swap3A_388] {strides = array<i32>} : memref<16xf32, #tpu.memory_space<vmem>>, vector<16xf32>,
    tpu.vector_store %arg8[%swap3A_388], %select_n3A_375 {strides = array<i32>} : memref<16xf32, #tpu.memory_space<vmem>>, vector<16xf32>,
    %swap3A_390 = arith.constant 0 : index
    %swap3A_391 = tpu.vector_load %arg9[%swap3A_390] {strides = array<i32>} : memref<16xi32, #tpu.memory_space<vmem>>, vector<16xi32>,
    tpu.vector_store %arg9[%swap3A_390], %select_n3A_380 {strides = array<i32>} : memref<16xi32, #tpu.memory_space<vmem>>, vector<16xi32>,
    %mul3A_392 = arith.constant 16 : i32
    %mul3A_393 = arith.muli %add3A, %mul3A_392 : i32
    "tpu.region"() ({
      %run_scoped3A = tpu.sem_alloc : memref<!tpu.dma_semaphore, #tpu.memory_space<semaphore_mem>>
      %dma_start3A_396 = tpu.memref_slice %arg3[%mul3A_393] : memref<512xf32, #tpu.memory_space<hbm>> -> memref<16xf32, #tpu.memory_space<hbm>>
      %dma_start3A_397 = tpu.memref_slice %arg3[%mul3A_393] : memref<512xf32, #tpu.memory_space<hbm>> -> memref<16xf32, #tpu.memory_space<hbm>>
      tpu.enqueue_dma source(%arg8 : memref<16xf32, #tpu.memory_space<vmem>>) target(%dma_start3A_397 : memref<16xf32, #tpu.memory_space<hbm>>) target_semaphore(%run_scoped3A : memref<!tpu.dma_semaphore, #tpu.memory_space<semaphore_mem>>)
      %dma_wait3A_398 = tpu.memref_slice %arg3[%mul3A_393] : memref<512xf32, #tpu.memory_space<hbm>> -> memref<16xf32, #tpu.memory_space<hbm>>
      %dma_wait3A_399 = tpu.memref_slice %arg3[%mul3A_393] : memref<512xf32, #tpu.memory_space<hbm>> -> memref<16xf32, #tpu.memory_space<hbm>>
      tpu.wait_dma2 semaphore(%run_scoped3A : memref<!tpu.dma_semaphore, #tpu.memory_space<semaphore_mem>>) src(%arg8 : memref<16xf32, #tpu.memory_space<vmem>>) dst(%dma_wait3A_399 : memref<16xf32, #tpu.memory_space<hbm>>)
      tpu.yield
    }) : () -> ()
    %mul3A_394 = arith.constant 16 : i32
    %mul3A_395 = arith.muli %add3A, %mul3A_394 : i32
    "tpu.region"() ({
      %run_scoped3A = tpu.sem_alloc : memref<!tpu.dma_semaphore, #tpu.memory_space<semaphore_mem>>
      %dma_start3A_396 = tpu.memref_slice %arg4[%mul3A_395] : memref<512xi32, #tpu.memory_space<hbm>> -> memref<16xi32, #tpu.memory_space<hbm>>
      %dma_start3A_397 = tpu.memref_slice %arg4[%mul3A_395] : memref<512xi32, #tpu.memory_space<hbm>> -> memref<16xi32, #tpu.memory_space<hbm>>
      tpu.enqueue_dma source(%arg9 : memref<16xi32, #tpu.memory_space<vmem>>) target(%dma_start3A_397 : memref<16xi32, #tpu.memory_space<hbm>>) target_semaphore(%run_scoped3A : memref<!tpu.dma_semaphore, #tpu.memory_space<semaphore_mem>>)
      %dma_wait3A_398 = tpu.memref_slice %arg4[%mul3A_395] : memref<512xi32, #tpu.memory_space<hbm>> -> memref<16xi32, #tpu.memory_space<hbm>>
      %dma_wait3A_399 = tpu.memref_slice %arg4[%mul3A_395] : memref<512xi32, #tpu.memory_space<hbm>> -> memref<16xi32, #tpu.memory_space<hbm>>
      tpu.wait_dma2 semaphore(%run_scoped3A : memref<!tpu.dma_semaphore, #tpu.memory_space<semaphore_mem>>) src(%arg9 : memref<16xi32, #tpu.memory_space<vmem>>) dst(%dma_wait3A_399 : memref<16xi32, #tpu.memory_space<hbm>>)
      tpu.yield
    }) : () -> ()
    return
  }
}

module attributes {stable_mosaic.version = 14 : i64} {
  func.func @_tcnorms_body(%arg0: i32, %arg1: memref<512x2048xf32, #tpu.memory_space<vmem>>, %arg2: memref<64x2048xf32, #tpu.memory_space<vmem>>, %arg3: memref<1x1x512xf32, #tpu.memory_space<vmem>>, %arg4: memref<64x2048xf32, #tpu.memory_space<vmem>>) attributes {dimension_semantics = [#tpu.dimension_semantics<arbitrary>], iteration_bounds = array<i64: 6>, scalar_prefetch = 0 : i64, scratch_operands = 0 : i64, tpu.core_type = #tpu.core_type<tc>, window_params = [{transform_indices = @transform_0, window_bounds = array<i64: 512, 2048>}, {pipeline_mode = #tpu.pipeline_mode<synchronous>, transform_indices = @transform_1, window_bounds = array<i64: 64, 2048>}, {transform_indices = @transform_2, window_bounds = array<i64: 1, 1, 512>}, {pipeline_mode = #tpu.pipeline_mode<synchronous>, transform_indices = @transform_3, window_bounds = array<i64: 64, 2048>}]} {
    %get3A = arith.constant 0 : index
    %get3A_0 = arith.constant 0 : index
    %get3A_1 = vector.load %arg1[%get3A, %get3A_0] : memref<512x2048xf32, #tpu.memory_space<vmem>>, vector<512x2048xf32>
    %mul3A = arith.mulf %get3A_1, %get3A_1 : vector<512x2048xf32>
    %reduce_sum3A = arith.constant dense<0.000000e+00> : vector<512xf32>
    %reduce_sum3A_2 = vector.multi_reduction <add>, %mul3A, %reduce_sum3A [1] : vector<512x2048xf32> to vector<512xf32>
    %reshape3A = vector.shape_cast %reduce_sum3A_2 : vector<512xf32> to vector<1x1x512xf32>
    %swap3A = arith.constant 0 : index
    %swap3A_3 = arith.constant 0 : index
    %swap3A_4 = arith.constant 0 : index
    %swap3A_5 = vector.load %arg3[%swap3A, %swap3A_3, %swap3A_4] : memref<1x1x512xf32, #tpu.memory_space<vmem>>, vector<1x1x512xf32>
    tpu.vector_store %arg3[%swap3A, %swap3A_3, %swap3A_4], %reshape3A {strides = array<i32>} : memref<1x1x512xf32, #tpu.memory_space<vmem>>, vector<1x1x512xf32>,
    %eq3A = arith.constant 0 : i32
    %eq3A_6 = arith.cmpi eq, %arg0, %eq3A : i32
    %convert_element_type3A = arith.extui %eq3A_6 : i1 to i32
    %cond3A = arith.constant 0 : i32
    %cond3A_7 = arith.cmpi ne, %convert_element_type3A, %cond3A : i32
    scf.if %cond3A_7 {
      %get3A_8 = arith.constant 0 : index
      %get3A_9 = arith.constant 0 : index
      %get3A_10 = vector.load %arg2[%get3A_8, %get3A_9] : memref<64x2048xf32, #tpu.memory_space<vmem>>, vector<64x2048xf32>
      %swap3A_11 = arith.constant 0 : index
      %swap3A_12 = arith.constant 0 : index
      %swap3A_13 = vector.load %arg4[%swap3A_11, %swap3A_12] : memref<64x2048xf32, #tpu.memory_space<vmem>>, vector<64x2048xf32>
      tpu.vector_store %arg4[%swap3A_11, %swap3A_12], %get3A_10 {strides = array<i32>} : memref<64x2048xf32, #tpu.memory_space<vmem>>, vector<64x2048xf32>,
    } else {
    }
    return
  }
  func.func @transform_0(%arg0: i32) -> (i32, i32) {
    %add3A = arith.constant 2 : i32
    %add3A_0 = arith.addi %arg0, %add3A : i32
    %c0_i32 = arith.constant 0 : i32
    %c0_i32_1 = arith.constant 0 : i32
    return %add3A_0, %c0_i32 : i32, i32
  }
  func.func @transform_1(%arg0: i32) -> (i32, i32) {
    %c0_i32 = arith.constant 0 : i32
    %c0_i32_0 = arith.constant 0 : i32
    %c0_i32_1 = arith.constant 0 : i32
    return %c0_i32, %c0_i32_0 : i32, i32
  }
  func.func @transform_2(%arg0: i32) -> (i32, i32, i32) {
    %c0_i32 = arith.constant 0 : i32
    %c0_i32_0 = arith.constant 0 : i32
    %c0_i32_1 = arith.constant 0 : i32
    return %arg0, %c0_i32, %c0_i32_0 : i32, i32, i32
  }
  func.func @transform_3(%arg0: i32) -> (i32, i32) {
    %c0_i32 = arith.constant 0 : i32
    %c0_i32_0 = arith.constant 0 : i32
    %c0_i32_1 = arith.constant 0 : i32
    return %c0_i32, %c0_i32_0 : i32, i32
  }
}

module attributes {stable_mosaic.version = 14 : i64} {
  func.func @_tcmerge_body(%arg0: i32, %arg1: memref<64x2048xf32, #tpu.memory_space<any>>, %arg2: memref<16384x2048xf32, #tpu.memory_space<any>>, %arg3: memref<4x128xf32, #tpu.memory_space<vmem>>, %arg4: memref<4x128xi32, #tpu.memory_space<vmem>>, %arg5: memref<24x128xf32, #tpu.memory_space<vmem>>, %arg6: memref<8x2048xf32, #tpu.memory_space<vmem>>, %arg7: memref<8x2048xf32, #tpu.memory_space<vmem>>, %arg8: memref<!tpu.dma_semaphore, #tpu.memory_space<semaphore_mem>>) attributes {dimension_semantics = [#tpu.dimension_semantics<arbitrary>], iteration_bounds = array<i64: 1>, scalar_prefetch = 0 : i64, scratch_operands = 2 : i64, tpu.core_type = #tpu.core_type<tc>, window_params = [{}, {}, {pipeline_mode = #tpu.pipeline_mode<synchronous>, transform_indices = @transform_2, window_bounds = array<i64: 4, 128>}, {pipeline_mode = #tpu.pipeline_mode<synchronous>, transform_indices = @transform_3, window_bounds = array<i64: 4, 128>}, {pipeline_mode = #tpu.pipeline_mode<synchronous>, transform_indices = @transform_4, window_bounds = array<i64: 24, 128>}, {transform_indices = @transform_5, window_bounds = array<i64: 8, 2048>}]} {
    %get3A = arith.constant 0 : index
    %get3A_0 = arith.constant 0 : index
    %get3A_1 = vector.load %arg3[%get3A, %get3A_0] : memref<4x128xf32, #tpu.memory_space<vmem>>, vector<4x128xf32>
    %get3A_2 = arith.constant 0 : index
    %get3A_3 = arith.constant 0 : index
    %get3A_4 = vector.load %arg4[%get3A_2, %get3A_3] : memref<4x128xi32, #tpu.memory_space<vmem>>, vector<4x128xi32>
    %get3A_5 = arith.constant 0 : index
    %get3A_6 = arith.constant 0 : index
    %get3A_7 = vector.load %arg5[%get3A_5, %get3A_6] : memref<24x128xf32, #tpu.memory_space<vmem>>, vector<24x128xf32>
    %iota3A = tpu.iota {dimensions = array<i32: 0>} : vector<24x128xi32>
    %mul3A = arith.constant 128 : i32
    %mul3A_8 = vector.broadcast %mul3A : i32 to vector<24x128xi32>
    %mul3A_9 = arith.muli %iota3A, %mul3A_8 : vector<24x128xi32>
    %add3A = arith.constant 1024 : i32
    %add3A_10 = vector.broadcast %add3A : i32 to vector<24x128xi32>
    %add3A_11 = arith.addi %add3A_10, %mul3A_9 : vector<24x128xi32>
    %iota3A_12 = tpu.iota {dimensions = array<i32: 1>} : vector<24x128xi32>
    %add3A_13 = arith.addi %add3A_11, %iota3A_12 : vector<24x128xi32>
    %reduce_max3A = vector.shape_cast %get3A_1 : vector<4x128xf32> to vector<1x4x128xf32>
    %reduce_max3A_14 = arith.constant dense<0xFF800000> : vector<1xf32>
    %reduce_max3A_15 = vector.multi_reduction <maximumf>, %reduce_max3A, %reduce_max3A_14 [1, 2] : vector<1x4x128xf32> to vector<1xf32>
    %reduce_max3A_16 = vector.shape_cast %reduce_max3A_15 : vector<1xf32> to vector<1x1x1xf32>
    %reduce_max3A_17 = vector.extract %reduce_max3A_16[0, 0, 0] : f32 from vector<1x1x1xf32>
    %reduce_max3A_18 = vector.shape_cast %get3A_7 : vector<24x128xf32> to vector<1x24x128xf32>
    %reduce_max3A_19 = arith.constant dense<0xFF800000> : vector<1xf32>
    %reduce_max3A_20 = vector.multi_reduction <maximumf>, %reduce_max3A_18, %reduce_max3A_19 [1, 2] : vector<1x24x128xf32> to vector<1xf32>
    %reduce_max3A_21 = vector.shape_cast %reduce_max3A_20 : vector<1xf32> to vector<1x1x1xf32>
    %reduce_max3A_22 = vector.extract %reduce_max3A_21[0, 0, 0] : f32 from vector<1x1x1xf32>
    %max3A = arith.maximumf %reduce_max3A_17, %reduce_max3A_22 : f32
    %eq3A = vector.broadcast %max3A : f32 to vector<4x128xf32>
    %eq3A_23 = arith.cmpf oeq, %get3A_1, %eq3A : vector<4x128xf32>
    %jit3A = arith.constant 1073741824 : i32
    %broadcast_in_dim3A = vector.broadcast %jit3A : i32 to vector<4x128xi32>
    %select_n3A = arith.select %eq3A_23, %get3A_4, %broadcast_in_dim3A : vector<4x128xi1>, vector<4x128xi32>
    %reduce_min3A = vector.shape_cast %select_n3A : vector<4x128xi32> to vector<1x4x128xi32>
    %reduce_min3A_24 = arith.constant dense<2147483647> : vector<1xi32>
    %reduce_min3A_25 = vector.multi_reduction <minsi>, %reduce_min3A, %reduce_min3A_24 [1, 2] : vector<1x4x128xi32> to vector<1xi32>
    %reduce_min3A_26 = vector.shape_cast %reduce_min3A_25 : vector<1xi32> to vector<1x1x1xi32>
    %reduce_min3A_27 = vector.extract %reduce_min3A_26[0, 0, 0] : i32 from vector<1x1x1xi32>
    %eq3A_28 = vector.broadcast %max3A : f32 to vector<24x128xf32>
    %eq3A_29 = arith.cmpf oeq, %get3A_7, %eq3A_28 : vector<24x128xf32>
    %jit3A_30 = arith.constant 1073741824 : i32
    %broadcast_in_dim3A_31 = vector.broadcast %jit3A_30 : i32 to vector<24x128xi32>
    %select_n3A_32 = arith.select %eq3A_29, %add3A_13, %broadcast_in_dim3A_31 : vector<24x128xi1>, vector<24x128xi32>
    %reduce_min3A_33 = vector.shape_cast %select_n3A_32 : vector<24x128xi32> to vector<1x24x128xi32>
    %reduce_min3A_34 = arith.constant dense<2147483647> : vector<1xi32>
    %reduce_min3A_35 = vector.multi_reduction <minsi>, %reduce_min3A_33, %reduce_min3A_34 [1, 2] : vector<1x24x128xi32> to vector<1xi32>
    %reduce_min3A_36 = vector.shape_cast %reduce_min3A_35 : vector<1xi32> to vector<1x1x1xi32>
    %reduce_min3A_37 = vector.extract %reduce_min3A_36[0, 0, 0] : i32 from vector<1x1x1xi32>
    %min3A = arith.minsi %reduce_min3A_27, %reduce_min3A_37 : i32
    %eq3A_38 = vector.broadcast %min3A : i32 to vector<4x128xi32>
    %eq3A_39 = arith.cmpi eq, %get3A_4, %eq3A_38 : vector<4x128xi32>
    %jit3A_40 = arith.constant -2.000000e+00 : f32
    %broadcast_in_dim3A_41 = vector.broadcast %jit3A_40 : f32 to vector<4x128xf32>
    %select_n3A_42 = arith.select %eq3A_39, %broadcast_in_dim3A_41, %get3A_1 : vector<4x128xi1>, vector<4x128xf32>
    %eq3A_43 = vector.broadcast %min3A : i32 to vector<24x128xi32>
    %eq3A_44 = arith.cmpi eq, %add3A_13, %eq3A_43 : vector<24x128xi32>
    %jit3A_45 = arith.constant -2.000000e+00 : f32
    %broadcast_in_dim3A_46 = vector.broadcast %jit3A_45 : f32 to vector<24x128xf32>
    %select_n3A_47 = arith.select %eq3A_44, %broadcast_in_dim3A_46, %get3A_7 : vector<24x128xi1>, vector<24x128xf32>
    %dma_start3A = arith.constant 0 : i32
    %dma_start3A_48 = arith.constant 0 : i32
    %dma_start3A_49 = tpu.memref_slice %arg7[%dma_start3A, %dma_start3A_48] : memref<8x2048xf32, #tpu.memory_space<vmem>> -> memref<1x2048xf32, #tpu.memory_space<vmem>>
    %dma_start3A_50 = arith.constant 0 : i32
    %dma_start3A_51 = tpu.memref_slice %arg2[%min3A, %dma_start3A_50] : memref<16384x2048xf32, #tpu.memory_space<any>> -> memref<1x2048xf32, #tpu.memory_space<any>>
    tpu.enqueue_dma source(%dma_start3A_51 : memref<1x2048xf32, #tpu.memory_space<any>>) target(%dma_start3A_49 : memref<1x2048xf32, #tpu.memory_space<vmem>>) target_semaphore(%arg8 : memref<!tpu.dma_semaphore, #tpu.memory_space<semaphore_mem>>)
    %reduce_max3A_52 = vector.shape_cast %select_n3A_42 : vector<4x128xf32> to vector<1x4x128xf32>
    %reduce_max3A_53 = arith.constant dense<0xFF800000> : vector<1xf32>
    %reduce_max3A_54 = vector.multi_reduction <maximumf>, %reduce_max3A_52, %reduce_max3A_53 [1, 2] : vector<1x4x128xf32> to vector<1xf32>
    %reduce_max3A_55 = vector.shape_cast %reduce_max3A_54 : vector<1xf32> to vector<1x1x1xf32>
    %reduce_max3A_56 = vector.extract %reduce_max3A_55[0, 0, 0] : f32 from vector<1x1x1xf32>
    %reduce_max3A_57 = vector.shape_cast %select_n3A_47 : vector<24x128xf32> to vector<1x24x128xf32>
    %reduce_max3A_58 = arith.constant dense<0xFF800000> : vector<1xf32>
    %reduce_max3A_59 = vector.multi_reduction <maximumf>, %reduce_max3A_57, %reduce_max3A_58 [1, 2] : vector<1x24x128xf32> to vector<1xf32>
    %reduce_max3A_60 = vector.shape_cast %reduce_max3A_59 : vector<1xf32> to vector<1x1x1xf32>
    %reduce_max3A_61 = vector.extract %reduce_max3A_60[0, 0, 0] : f32 from vector<1x1x1xf32>
    %max3A_62 = arith.maximumf %reduce_max3A_56, %reduce_max3A_61 : f32
    %eq3A_63 = vector.broadcast %max3A_62 : f32 to vector<4x128xf32>
    %eq3A_64 = arith.cmpf oeq, %select_n3A_42, %eq3A_63 : vector<4x128xf32>
    %jit3A_65 = arith.constant 1073741824 : i32
    %broadcast_in_dim3A_66 = vector.broadcast %jit3A_65 : i32 to vector<4x128xi32>
    %select_n3A_67 = arith.select %eq3A_64, %get3A_4, %broadcast_in_dim3A_66 : vector<4x128xi1>, vector<4x128xi32>
    %reduce_min3A_68 = vector.shape_cast %select_n3A_67 : vector<4x128xi32> to vector<1x4x128xi32>
    %reduce_min3A_69 = arith.constant dense<2147483647> : vector<1xi32>
    %reduce_min3A_70 = vector.multi_reduction <minsi>, %reduce_min3A_68, %reduce_min3A_69 [1, 2] : vector<1x4x128xi32> to vector<1xi32>
    %reduce_min3A_71 = vector.shape_cast %reduce_min3A_70 : vector<1xi32> to vector<1x1x1xi32>
    %reduce_min3A_72 = vector.extract %reduce_min3A_71[0, 0, 0] : i32 from vector<1x1x1xi32>
    %eq3A_73 = vector.broadcast %max3A_62 : f32 to vector<24x128xf32>
    %eq3A_74 = arith.cmpf oeq, %select_n3A_47, %eq3A_73 : vector<24x128xf32>
    %jit3A_75 = arith.constant 1073741824 : i32
    %broadcast_in_dim3A_76 = vector.broadcast %jit3A_75 : i32 to vector<24x128xi32>
    %select_n3A_77 = arith.select %eq3A_74, %add3A_13, %broadcast_in_dim3A_76 : vector<24x128xi1>, vector<24x128xi32>
    %reduce_min3A_78 = vector.shape_cast %select_n3A_77 : vector<24x128xi32> to vector<1x24x128xi32>
    %reduce_min3A_79 = arith.constant dense<2147483647> : vector<1xi32>
    %reduce_min3A_80 = vector.multi_reduction <minsi>, %reduce_min3A_78, %reduce_min3A_79 [1, 2] : vector<1x24x128xi32> to vector<1xi32>
    %reduce_min3A_81 = vector.shape_cast %reduce_min3A_80 : vector<1xi32> to vector<1x1x1xi32>
    %reduce_min3A_82 = vector.extract %reduce_min3A_81[0, 0, 0] : i32 from vector<1x1x1xi32>
    %min3A_83 = arith.minsi %reduce_min3A_72, %reduce_min3A_82 : i32
    %eq3A_84 = vector.broadcast %min3A_83 : i32 to vector<4x128xi32>
    %eq3A_85 = arith.cmpi eq, %get3A_4, %eq3A_84 : vector<4x128xi32>
    %jit3A_86 = arith.constant -2.000000e+00 : f32
    %broadcast_in_dim3A_87 = vector.broadcast %jit3A_86 : f32 to vector<4x128xf32>
    %select_n3A_88 = arith.select %eq3A_85, %broadcast_in_dim3A_87, %select_n3A_42 : vector<4x128xi1>, vector<4x128xf32>
    %eq3A_89 = vector.broadcast %min3A_83 : i32 to vector<24x128xi32>
    %eq3A_90 = arith.cmpi eq, %add3A_13, %eq3A_89 : vector<24x128xi32>
    %jit3A_91 = arith.constant -2.000000e+00 : f32
    %broadcast_in_dim3A_92 = vector.broadcast %jit3A_91 : f32 to vector<24x128xf32>
    %select_n3A_93 = arith.select %eq3A_90, %broadcast_in_dim3A_92, %select_n3A_47 : vector<24x128xi1>, vector<24x128xf32>
    %dma_start3A_94 = arith.constant 1 : i32
    %dma_start3A_95 = arith.constant 0 : i32
    %dma_start3A_96 = tpu.memref_slice %arg7[%dma_start3A_94, %dma_start3A_95] : memref<8x2048xf32, #tpu.memory_space<vmem>> -> memref<1x2048xf32, #tpu.memory_space<vmem>>
    %dma_start3A_97 = arith.constant 0 : i32
    %dma_start3A_98 = tpu.memref_slice %arg2[%min3A_83, %dma_start3A_97] : memref<16384x2048xf32, #tpu.memory_space<any>> -> memref<1x2048xf32, #tpu.memory_space<any>>
    tpu.enqueue_dma source(%dma_start3A_98 : memref<1x2048xf32, #tpu.memory_space<any>>) target(%dma_start3A_96 : memref<1x2048xf32, #tpu.memory_space<vmem>>) target_semaphore(%arg8 : memref<!tpu.dma_semaphore, #tpu.memory_space<semaphore_mem>>)
    %reduce_max3A_99 = vector.shape_cast %select_n3A_88 : vector<4x128xf32> to vector<1x4x128xf32>
    %reduce_max3A_100 = arith.constant dense<0xFF800000> : vector<1xf32>
    %reduce_max3A_101 = vector.multi_reduction <maximumf>, %reduce_max3A_99, %reduce_max3A_100 [1, 2] : vector<1x4x128xf32> to vector<1xf32>
    %reduce_max3A_102 = vector.shape_cast %reduce_max3A_101 : vector<1xf32> to vector<1x1x1xf32>
    %reduce_max3A_103 = vector.extract %reduce_max3A_102[0, 0, 0] : f32 from vector<1x1x1xf32>
    %reduce_max3A_104 = vector.shape_cast %select_n3A_93 : vector<24x128xf32> to vector<1x24x128xf32>
    %reduce_max3A_105 = arith.constant dense<0xFF800000> : vector<1xf32>
    %reduce_max3A_106 = vector.multi_reduction <maximumf>, %reduce_max3A_104, %reduce_max3A_105 [1, 2] : vector<1x24x128xf32> to vector<1xf32>
    %reduce_max3A_107 = vector.shape_cast %reduce_max3A_106 : vector<1xf32> to vector<1x1x1xf32>
    %reduce_max3A_108 = vector.extract %reduce_max3A_107[0, 0, 0] : f32 from vector<1x1x1xf32>
    %max3A_109 = arith.maximumf %reduce_max3A_103, %reduce_max3A_108 : f32
    %eq3A_110 = vector.broadcast %max3A_109 : f32 to vector<4x128xf32>
    %eq3A_111 = arith.cmpf oeq, %select_n3A_88, %eq3A_110 : vector<4x128xf32>
    %jit3A_112 = arith.constant 1073741824 : i32
    %broadcast_in_dim3A_113 = vector.broadcast %jit3A_112 : i32 to vector<4x128xi32>
    %select_n3A_114 = arith.select %eq3A_111, %get3A_4, %broadcast_in_dim3A_113 : vector<4x128xi1>, vector<4x128xi32>
    %reduce_min3A_115 = vector.shape_cast %select_n3A_114 : vector<4x128xi32> to vector<1x4x128xi32>
    %reduce_min3A_116 = arith.constant dense<2147483647> : vector<1xi32>
    %reduce_min3A_117 = vector.multi_reduction <minsi>, %reduce_min3A_115, %reduce_min3A_116 [1, 2] : vector<1x4x128xi32> to vector<1xi32>
    %reduce_min3A_118 = vector.shape_cast %reduce_min3A_117 : vector<1xi32> to vector<1x1x1xi32>
    %reduce_min3A_119 = vector.extract %reduce_min3A_118[0, 0, 0] : i32 from vector<1x1x1xi32>
    %eq3A_120 = vector.broadcast %max3A_109 : f32 to vector<24x128xf32>
    %eq3A_121 = arith.cmpf oeq, %select_n3A_93, %eq3A_120 : vector<24x128xf32>
    %jit3A_122 = arith.constant 1073741824 : i32
    %broadcast_in_dim3A_123 = vector.broadcast %jit3A_122 : i32 to vector<24x128xi32>
    %select_n3A_124 = arith.select %eq3A_121, %add3A_13, %broadcast_in_dim3A_123 : vector<24x128xi1>, vector<24x128xi32>
    %reduce_min3A_125 = vector.shape_cast %select_n3A_124 : vector<24x128xi32> to vector<1x24x128xi32>
    %reduce_min3A_126 = arith.constant dense<2147483647> : vector<1xi32>
    %reduce_min3A_127 = vector.multi_reduction <minsi>, %reduce_min3A_125, %reduce_min3A_126 [1, 2] : vector<1x24x128xi32> to vector<1xi32>
    %reduce_min3A_128 = vector.shape_cast %reduce_min3A_127 : vector<1xi32> to vector<1x1x1xi32>
    %reduce_min3A_129 = vector.extract %reduce_min3A_128[0, 0, 0] : i32 from vector<1x1x1xi32>
    %min3A_130 = arith.minsi %reduce_min3A_119, %reduce_min3A_129 : i32
    %eq3A_131 = vector.broadcast %min3A_130 : i32 to vector<4x128xi32>
    %eq3A_132 = arith.cmpi eq, %get3A_4, %eq3A_131 : vector<4x128xi32>
    %jit3A_133 = arith.constant -2.000000e+00 : f32
    %broadcast_in_dim3A_134 = vector.broadcast %jit3A_133 : f32 to vector<4x128xf32>
    %select_n3A_135 = arith.select %eq3A_132, %broadcast_in_dim3A_134, %select_n3A_88 : vector<4x128xi1>, vector<4x128xf32>
    %eq3A_136 = vector.broadcast %min3A_130 : i32 to vector<24x128xi32>
    %eq3A_137 = arith.cmpi eq, %add3A_13, %eq3A_136 : vector<24x128xi32>
    %jit3A_138 = arith.constant -2.000000e+00 : f32
    %broadcast_in_dim3A_139 = vector.broadcast %jit3A_138 : f32 to vector<24x128xf32>
    %select_n3A_140 = arith.select %eq3A_137, %broadcast_in_dim3A_139, %select_n3A_93 : vector<24x128xi1>, vector<24x128xf32>
    %dma_start3A_141 = arith.constant 2 : i32
    %dma_start3A_142 = arith.constant 0 : i32
    %dma_start3A_143 = tpu.memref_slice %arg7[%dma_start3A_141, %dma_start3A_142] : memref<8x2048xf32, #tpu.memory_space<vmem>> -> memref<1x2048xf32, #tpu.memory_space<vmem>>
    %dma_start3A_144 = arith.constant 0 : i32
    %dma_start3A_145 = tpu.memref_slice %arg2[%min3A_130, %dma_start3A_144] : memref<16384x2048xf32, #tpu.memory_space<any>> -> memref<1x2048xf32, #tpu.memory_space<any>>
    tpu.enqueue_dma source(%dma_start3A_145 : memref<1x2048xf32, #tpu.memory_space<any>>) target(%dma_start3A_143 : memref<1x2048xf32, #tpu.memory_space<vmem>>) target_semaphore(%arg8 : memref<!tpu.dma_semaphore, #tpu.memory_space<semaphore_mem>>)
    %reduce_max3A_146 = vector.shape_cast %select_n3A_135 : vector<4x128xf32> to vector<1x4x128xf32>
    %reduce_max3A_147 = arith.constant dense<0xFF800000> : vector<1xf32>
    %reduce_max3A_148 = vector.multi_reduction <maximumf>, %reduce_max3A_146, %reduce_max3A_147 [1, 2] : vector<1x4x128xf32> to vector<1xf32>
    %reduce_max3A_149 = vector.shape_cast %reduce_max3A_148 : vector<1xf32> to vector<1x1x1xf32>
    %reduce_max3A_150 = vector.extract %reduce_max3A_149[0, 0, 0] : f32 from vector<1x1x1xf32>
    %reduce_max3A_151 = vector.shape_cast %select_n3A_140 : vector<24x128xf32> to vector<1x24x128xf32>
    %reduce_max3A_152 = arith.constant dense<0xFF800000> : vector<1xf32>
    %reduce_max3A_153 = vector.multi_reduction <maximumf>, %reduce_max3A_151, %reduce_max3A_152 [1, 2] : vector<1x24x128xf32> to vector<1xf32>
    %reduce_max3A_154 = vector.shape_cast %reduce_max3A_153 : vector<1xf32> to vector<1x1x1xf32>
    %reduce_max3A_155 = vector.extract %reduce_max3A_154[0, 0, 0] : f32 from vector<1x1x1xf32>
    %max3A_156 = arith.maximumf %reduce_max3A_150, %reduce_max3A_155 : f32
    %eq3A_157 = vector.broadcast %max3A_156 : f32 to vector<4x128xf32>
    %eq3A_158 = arith.cmpf oeq, %select_n3A_135, %eq3A_157 : vector<4x128xf32>
    %jit3A_159 = arith.constant 1073741824 : i32
    %broadcast_in_dim3A_160 = vector.broadcast %jit3A_159 : i32 to vector<4x128xi32>
    %select_n3A_161 = arith.select %eq3A_158, %get3A_4, %broadcast_in_dim3A_160 : vector<4x128xi1>, vector<4x128xi32>
    %reduce_min3A_162 = vector.shape_cast %select_n3A_161 : vector<4x128xi32> to vector<1x4x128xi32>
    %reduce_min3A_163 = arith.constant dense<2147483647> : vector<1xi32>
    %reduce_min3A_164 = vector.multi_reduction <minsi>, %reduce_min3A_162, %reduce_min3A_163 [1, 2] : vector<1x4x128xi32> to vector<1xi32>
    %reduce_min3A_165 = vector.shape_cast %reduce_min3A_164 : vector<1xi32> to vector<1x1x1xi32>
    %reduce_min3A_166 = vector.extract %reduce_min3A_165[0, 0, 0] : i32 from vector<1x1x1xi32>
    %eq3A_167 = vector.broadcast %max3A_156 : f32 to vector<24x128xf32>
    %eq3A_168 = arith.cmpf oeq, %select_n3A_140, %eq3A_167 : vector<24x128xf32>
    %jit3A_169 = arith.constant 1073741824 : i32
    %broadcast_in_dim3A_170 = vector.broadcast %jit3A_169 : i32 to vector<24x128xi32>
    %select_n3A_171 = arith.select %eq3A_168, %add3A_13, %broadcast_in_dim3A_170 : vector<24x128xi1>, vector<24x128xi32>
    %reduce_min3A_172 = vector.shape_cast %select_n3A_171 : vector<24x128xi32> to vector<1x24x128xi32>
    %reduce_min3A_173 = arith.constant dense<2147483647> : vector<1xi32>
    %reduce_min3A_174 = vector.multi_reduction <minsi>, %reduce_min3A_172, %reduce_min3A_173 [1, 2] : vector<1x24x128xi32> to vector<1xi32>
    %reduce_min3A_175 = vector.shape_cast %reduce_min3A_174 : vector<1xi32> to vector<1x1x1xi32>
    %reduce_min3A_176 = vector.extract %reduce_min3A_175[0, 0, 0] : i32 from vector<1x1x1xi32>
    %min3A_177 = arith.minsi %reduce_min3A_166, %reduce_min3A_176 : i32
    %eq3A_178 = vector.broadcast %min3A_177 : i32 to vector<4x128xi32>
    %eq3A_179 = arith.cmpi eq, %get3A_4, %eq3A_178 : vector<4x128xi32>
    %jit3A_180 = arith.constant -2.000000e+00 : f32
    %broadcast_in_dim3A_181 = vector.broadcast %jit3A_180 : f32 to vector<4x128xf32>
    %select_n3A_182 = arith.select %eq3A_179, %broadcast_in_dim3A_181, %select_n3A_135 : vector<4x128xi1>, vector<4x128xf32>
    %eq3A_183 = vector.broadcast %min3A_177 : i32 to vector<24x128xi32>
    %eq3A_184 = arith.cmpi eq, %add3A_13, %eq3A_183 : vector<24x128xi32>
    %jit3A_185 = arith.constant -2.000000e+00 : f32
    %broadcast_in_dim3A_186 = vector.broadcast %jit3A_185 : f32 to vector<24x128xf32>
    %select_n3A_187 = arith.select %eq3A_184, %broadcast_in_dim3A_186, %select_n3A_140 : vector<24x128xi1>, vector<24x128xf32>
    %dma_start3A_188 = arith.constant 3 : i32
    %dma_start3A_189 = arith.constant 0 : i32
    %dma_start3A_190 = tpu.memref_slice %arg7[%dma_start3A_188, %dma_start3A_189] : memref<8x2048xf32, #tpu.memory_space<vmem>> -> memref<1x2048xf32, #tpu.memory_space<vmem>>
    %dma_start3A_191 = arith.constant 0 : i32
    %dma_start3A_192 = tpu.memref_slice %arg2[%min3A_177, %dma_start3A_191] : memref<16384x2048xf32, #tpu.memory_space<any>> -> memref<1x2048xf32, #tpu.memory_space<any>>
    tpu.enqueue_dma source(%dma_start3A_192 : memref<1x2048xf32, #tpu.memory_space<any>>) target(%dma_start3A_190 : memref<1x2048xf32, #tpu.memory_space<vmem>>) target_semaphore(%arg8 : memref<!tpu.dma_semaphore, #tpu.memory_space<semaphore_mem>>)
    %reduce_max3A_193 = vector.shape_cast %select_n3A_182 : vector<4x128xf32> to vector<1x4x128xf32>
    %reduce_max3A_194 = arith.constant dense<0xFF800000> : vector<1xf32>
    %reduce_max3A_195 = vector.multi_reduction <maximumf>, %reduce_max3A_193, %reduce_max3A_194 [1, 2] : vector<1x4x128xf32> to vector<1xf32>
    %reduce_max3A_196 = vector.shape_cast %reduce_max3A_195 : vector<1xf32> to vector<1x1x1xf32>
    %reduce_max3A_197 = vector.extract %reduce_max3A_196[0, 0, 0] : f32 from vector<1x1x1xf32>
    %reduce_max3A_198 = vector.shape_cast %select_n3A_187 : vector<24x128xf32> to vector<1x24x128xf32>
    %reduce_max3A_199 = arith.constant dense<0xFF800000> : vector<1xf32>
    %reduce_max3A_200 = vector.multi_reduction <maximumf>, %reduce_max3A_198, %reduce_max3A_199 [1, 2] : vector<1x24x128xf32> to vector<1xf32>
    %reduce_max3A_201 = vector.shape_cast %reduce_max3A_200 : vector<1xf32> to vector<1x1x1xf32>
    %reduce_max3A_202 = vector.extract %reduce_max3A_201[0, 0, 0] : f32 from vector<1x1x1xf32>
    %max3A_203 = arith.maximumf %reduce_max3A_197, %reduce_max3A_202 : f32
    %eq3A_204 = vector.broadcast %max3A_203 : f32 to vector<4x128xf32>
    %eq3A_205 = arith.cmpf oeq, %select_n3A_182, %eq3A_204 : vector<4x128xf32>
    %jit3A_206 = arith.constant 1073741824 : i32
    %broadcast_in_dim3A_207 = vector.broadcast %jit3A_206 : i32 to vector<4x128xi32>
    %select_n3A_208 = arith.select %eq3A_205, %get3A_4, %broadcast_in_dim3A_207 : vector<4x128xi1>, vector<4x128xi32>
    %reduce_min3A_209 = vector.shape_cast %select_n3A_208 : vector<4x128xi32> to vector<1x4x128xi32>
    %reduce_min3A_210 = arith.constant dense<2147483647> : vector<1xi32>
    %reduce_min3A_211 = vector.multi_reduction <minsi>, %reduce_min3A_209, %reduce_min3A_210 [1, 2] : vector<1x4x128xi32> to vector<1xi32>
    %reduce_min3A_212 = vector.shape_cast %reduce_min3A_211 : vector<1xi32> to vector<1x1x1xi32>
    %reduce_min3A_213 = vector.extract %reduce_min3A_212[0, 0, 0] : i32 from vector<1x1x1xi32>
    %eq3A_214 = vector.broadcast %max3A_203 : f32 to vector<24x128xf32>
    %eq3A_215 = arith.cmpf oeq, %select_n3A_187, %eq3A_214 : vector<24x128xf32>
    %jit3A_216 = arith.constant 1073741824 : i32
    %broadcast_in_dim3A_217 = vector.broadcast %jit3A_216 : i32 to vector<24x128xi32>
    %select_n3A_218 = arith.select %eq3A_215, %add3A_13, %broadcast_in_dim3A_217 : vector<24x128xi1>, vector<24x128xi32>
    %reduce_min3A_219 = vector.shape_cast %select_n3A_218 : vector<24x128xi32> to vector<1x24x128xi32>
    %reduce_min3A_220 = arith.constant dense<2147483647> : vector<1xi32>
    %reduce_min3A_221 = vector.multi_reduction <minsi>, %reduce_min3A_219, %reduce_min3A_220 [1, 2] : vector<1x24x128xi32> to vector<1xi32>
    %reduce_min3A_222 = vector.shape_cast %reduce_min3A_221 : vector<1xi32> to vector<1x1x1xi32>
    %reduce_min3A_223 = vector.extract %reduce_min3A_222[0, 0, 0] : i32 from vector<1x1x1xi32>
    %min3A_224 = arith.minsi %reduce_min3A_213, %reduce_min3A_223 : i32
    %eq3A_225 = vector.broadcast %min3A_224 : i32 to vector<4x128xi32>
    %eq3A_226 = arith.cmpi eq, %get3A_4, %eq3A_225 : vector<4x128xi32>
    %jit3A_227 = arith.constant -2.000000e+00 : f32
    %broadcast_in_dim3A_228 = vector.broadcast %jit3A_227 : f32 to vector<4x128xf32>
    %select_n3A_229 = arith.select %eq3A_226, %broadcast_in_dim3A_228, %select_n3A_182 : vector<4x128xi1>, vector<4x128xf32>
    %eq3A_230 = vector.broadcast %min3A_224 : i32 to vector<24x128xi32>
    %eq3A_231 = arith.cmpi eq, %add3A_13, %eq3A_230 : vector<24x128xi32>
    %jit3A_232 = arith.constant -2.000000e+00 : f32
    %broadcast_in_dim3A_233 = vector.broadcast %jit3A_232 : f32 to vector<24x128xf32>
    %select_n3A_234 = arith.select %eq3A_231, %broadcast_in_dim3A_233, %select_n3A_187 : vector<24x128xi1>, vector<24x128xf32>
    %dma_start3A_235 = arith.constant 4 : i32
    %dma_start3A_236 = arith.constant 0 : i32
    %dma_start3A_237 = tpu.memref_slice %arg7[%dma_start3A_235, %dma_start3A_236] : memref<8x2048xf32, #tpu.memory_space<vmem>> -> memref<1x2048xf32, #tpu.memory_space<vmem>>
    %dma_start3A_238 = arith.constant 0 : i32
    %dma_start3A_239 = tpu.memref_slice %arg2[%min3A_224, %dma_start3A_238] : memref<16384x2048xf32, #tpu.memory_space<any>> -> memref<1x2048xf32, #tpu.memory_space<any>>
    tpu.enqueue_dma source(%dma_start3A_239 : memref<1x2048xf32, #tpu.memory_space<any>>) target(%dma_start3A_237 : memref<1x2048xf32, #tpu.memory_space<vmem>>) target_semaphore(%arg8 : memref<!tpu.dma_semaphore, #tpu.memory_space<semaphore_mem>>)
    %reduce_max3A_240 = vector.shape_cast %select_n3A_229 : vector<4x128xf32> to vector<1x4x128xf32>
    %reduce_max3A_241 = arith.constant dense<0xFF800000> : vector<1xf32>
    %reduce_max3A_242 = vector.multi_reduction <maximumf>, %reduce_max3A_240, %reduce_max3A_241 [1, 2] : vector<1x4x128xf32> to vector<1xf32>
    %reduce_max3A_243 = vector.shape_cast %reduce_max3A_242 : vector<1xf32> to vector<1x1x1xf32>
    %reduce_max3A_244 = vector.extract %reduce_max3A_243[0, 0, 0] : f32 from vector<1x1x1xf32>
    %reduce_max3A_245 = vector.shape_cast %select_n3A_234 : vector<24x128xf32> to vector<1x24x128xf32>
    %reduce_max3A_246 = arith.constant dense<0xFF800000> : vector<1xf32>
    %reduce_max3A_247 = vector.multi_reduction <maximumf>, %reduce_max3A_245, %reduce_max3A_246 [1, 2] : vector<1x24x128xf32> to vector<1xf32>
    %reduce_max3A_248 = vector.shape_cast %reduce_max3A_247 : vector<1xf32> to vector<1x1x1xf32>
    %reduce_max3A_249 = vector.extract %reduce_max3A_248[0, 0, 0] : f32 from vector<1x1x1xf32>
    %max3A_250 = arith.maximumf %reduce_max3A_244, %reduce_max3A_249 : f32
    %eq3A_251 = vector.broadcast %max3A_250 : f32 to vector<4x128xf32>
    %eq3A_252 = arith.cmpf oeq, %select_n3A_229, %eq3A_251 : vector<4x128xf32>
    %jit3A_253 = arith.constant 1073741824 : i32
    %broadcast_in_dim3A_254 = vector.broadcast %jit3A_253 : i32 to vector<4x128xi32>
    %select_n3A_255 = arith.select %eq3A_252, %get3A_4, %broadcast_in_dim3A_254 : vector<4x128xi1>, vector<4x128xi32>
    %reduce_min3A_256 = vector.shape_cast %select_n3A_255 : vector<4x128xi32> to vector<1x4x128xi32>
    %reduce_min3A_257 = arith.constant dense<2147483647> : vector<1xi32>
    %reduce_min3A_258 = vector.multi_reduction <minsi>, %reduce_min3A_256, %reduce_min3A_257 [1, 2] : vector<1x4x128xi32> to vector<1xi32>
    %reduce_min3A_259 = vector.shape_cast %reduce_min3A_258 : vector<1xi32> to vector<1x1x1xi32>
    %reduce_min3A_260 = vector.extract %reduce_min3A_259[0, 0, 0] : i32 from vector<1x1x1xi32>
    %eq3A_261 = vector.broadcast %max3A_250 : f32 to vector<24x128xf32>
    %eq3A_262 = arith.cmpf oeq, %select_n3A_234, %eq3A_261 : vector<24x128xf32>
    %jit3A_263 = arith.constant 1073741824 : i32
    %broadcast_in_dim3A_264 = vector.broadcast %jit3A_263 : i32 to vector<24x128xi32>
    %select_n3A_265 = arith.select %eq3A_262, %add3A_13, %broadcast_in_dim3A_264 : vector<24x128xi1>, vector<24x128xi32>
    %reduce_min3A_266 = vector.shape_cast %select_n3A_265 : vector<24x128xi32> to vector<1x24x128xi32>
    %reduce_min3A_267 = arith.constant dense<2147483647> : vector<1xi32>
    %reduce_min3A_268 = vector.multi_reduction <minsi>, %reduce_min3A_266, %reduce_min3A_267 [1, 2] : vector<1x24x128xi32> to vector<1xi32>
    %reduce_min3A_269 = vector.shape_cast %reduce_min3A_268 : vector<1xi32> to vector<1x1x1xi32>
    %reduce_min3A_270 = vector.extract %reduce_min3A_269[0, 0, 0] : i32 from vector<1x1x1xi32>
    %min3A_271 = arith.minsi %reduce_min3A_260, %reduce_min3A_270 : i32
    %eq3A_272 = vector.broadcast %min3A_271 : i32 to vector<4x128xi32>
    %eq3A_273 = arith.cmpi eq, %get3A_4, %eq3A_272 : vector<4x128xi32>
    %jit3A_274 = arith.constant -2.000000e+00 : f32
    %broadcast_in_dim3A_275 = vector.broadcast %jit3A_274 : f32 to vector<4x128xf32>
    %select_n3A_276 = arith.select %eq3A_273, %broadcast_in_dim3A_275, %select_n3A_229 : vector<4x128xi1>, vector<4x128xf32>
    %eq3A_277 = vector.broadcast %min3A_271 : i32 to vector<24x128xi32>
    %eq3A_278 = arith.cmpi eq, %add3A_13, %eq3A_277 : vector<24x128xi32>
    %jit3A_279 = arith.constant -2.000000e+00 : f32
    %broadcast_in_dim3A_280 = vector.broadcast %jit3A_279 : f32 to vector<24x128xf32>
    %select_n3A_281 = arith.select %eq3A_278, %broadcast_in_dim3A_280, %select_n3A_234 : vector<24x128xi1>, vector<24x128xf32>
    %dma_start3A_282 = arith.constant 5 : i32
    %dma_start3A_283 = arith.constant 0 : i32
    %dma_start3A_284 = tpu.memref_slice %arg7[%dma_start3A_282, %dma_start3A_283] : memref<8x2048xf32, #tpu.memory_space<vmem>> -> memref<1x2048xf32, #tpu.memory_space<vmem>>
    %dma_start3A_285 = arith.constant 0 : i32
    %dma_start3A_286 = tpu.memref_slice %arg2[%min3A_271, %dma_start3A_285] : memref<16384x2048xf32, #tpu.memory_space<any>> -> memref<1x2048xf32, #tpu.memory_space<any>>
    tpu.enqueue_dma source(%dma_start3A_286 : memref<1x2048xf32, #tpu.memory_space<any>>) target(%dma_start3A_284 : memref<1x2048xf32, #tpu.memory_space<vmem>>) target_semaphore(%arg8 : memref<!tpu.dma_semaphore, #tpu.memory_space<semaphore_mem>>)
    %reduce_max3A_287 = vector.shape_cast %select_n3A_276 : vector<4x128xf32> to vector<1x4x128xf32>
    %reduce_max3A_288 = arith.constant dense<0xFF800000> : vector<1xf32>
    %reduce_max3A_289 = vector.multi_reduction <maximumf>, %reduce_max3A_287, %reduce_max3A_288 [1, 2] : vector<1x4x128xf32> to vector<1xf32>
    %reduce_max3A_290 = vector.shape_cast %reduce_max3A_289 : vector<1xf32> to vector<1x1x1xf32>
    %reduce_max3A_291 = vector.extract %reduce_max3A_290[0, 0, 0] : f32 from vector<1x1x1xf32>
    %reduce_max3A_292 = vector.shape_cast %select_n3A_281 : vector<24x128xf32> to vector<1x24x128xf32>
    %reduce_max3A_293 = arith.constant dense<0xFF800000> : vector<1xf32>
    %reduce_max3A_294 = vector.multi_reduction <maximumf>, %reduce_max3A_292, %reduce_max3A_293 [1, 2] : vector<1x24x128xf32> to vector<1xf32>
    %reduce_max3A_295 = vector.shape_cast %reduce_max3A_294 : vector<1xf32> to vector<1x1x1xf32>
    %reduce_max3A_296 = vector.extract %reduce_max3A_295[0, 0, 0] : f32 from vector<1x1x1xf32>
    %max3A_297 = arith.maximumf %reduce_max3A_291, %reduce_max3A_296 : f32
    %eq3A_298 = vector.broadcast %max3A_297 : f32 to vector<4x128xf32>
    %eq3A_299 = arith.cmpf oeq, %select_n3A_276, %eq3A_298 : vector<4x128xf32>
    %jit3A_300 = arith.constant 1073741824 : i32
    %broadcast_in_dim3A_301 = vector.broadcast %jit3A_300 : i32 to vector<4x128xi32>
    %select_n3A_302 = arith.select %eq3A_299, %get3A_4, %broadcast_in_dim3A_301 : vector<4x128xi1>, vector<4x128xi32>
    %reduce_min3A_303 = vector.shape_cast %select_n3A_302 : vector<4x128xi32> to vector<1x4x128xi32>
    %reduce_min3A_304 = arith.constant dense<2147483647> : vector<1xi32>
    %reduce_min3A_305 = vector.multi_reduction <minsi>, %reduce_min3A_303, %reduce_min3A_304 [1, 2] : vector<1x4x128xi32> to vector<1xi32>
    %reduce_min3A_306 = vector.shape_cast %reduce_min3A_305 : vector<1xi32> to vector<1x1x1xi32>
    %reduce_min3A_307 = vector.extract %reduce_min3A_306[0, 0, 0] : i32 from vector<1x1x1xi32>
    %eq3A_308 = vector.broadcast %max3A_297 : f32 to vector<24x128xf32>
    %eq3A_309 = arith.cmpf oeq, %select_n3A_281, %eq3A_308 : vector<24x128xf32>
    %jit3A_310 = arith.constant 1073741824 : i32
    %broadcast_in_dim3A_311 = vector.broadcast %jit3A_310 : i32 to vector<24x128xi32>
    %select_n3A_312 = arith.select %eq3A_309, %add3A_13, %broadcast_in_dim3A_311 : vector<24x128xi1>, vector<24x128xi32>
    %reduce_min3A_313 = vector.shape_cast %select_n3A_312 : vector<24x128xi32> to vector<1x24x128xi32>
    %reduce_min3A_314 = arith.constant dense<2147483647> : vector<1xi32>
    %reduce_min3A_315 = vector.multi_reduction <minsi>, %reduce_min3A_313, %reduce_min3A_314 [1, 2] : vector<1x24x128xi32> to vector<1xi32>
    %reduce_min3A_316 = vector.shape_cast %reduce_min3A_315 : vector<1xi32> to vector<1x1x1xi32>
    %reduce_min3A_317 = vector.extract %reduce_min3A_316[0, 0, 0] : i32 from vector<1x1x1xi32>
    %min3A_318 = arith.minsi %reduce_min3A_307, %reduce_min3A_317 : i32
    %eq3A_319 = vector.broadcast %min3A_318 : i32 to vector<4x128xi32>
    %eq3A_320 = arith.cmpi eq, %get3A_4, %eq3A_319 : vector<4x128xi32>
    %jit3A_321 = arith.constant -2.000000e+00 : f32
    %broadcast_in_dim3A_322 = vector.broadcast %jit3A_321 : f32 to vector<4x128xf32>
    %select_n3A_323 = arith.select %eq3A_320, %broadcast_in_dim3A_322, %select_n3A_276 : vector<4x128xi1>, vector<4x128xf32>
    %eq3A_324 = vector.broadcast %min3A_318 : i32 to vector<24x128xi32>
    %eq3A_325 = arith.cmpi eq, %add3A_13, %eq3A_324 : vector<24x128xi32>
    %jit3A_326 = arith.constant -2.000000e+00 : f32
    %broadcast_in_dim3A_327 = vector.broadcast %jit3A_326 : f32 to vector<24x128xf32>
    %select_n3A_328 = arith.select %eq3A_325, %broadcast_in_dim3A_327, %select_n3A_281 : vector<24x128xi1>, vector<24x128xf32>
    %dma_start3A_329 = arith.constant 6 : i32
    %dma_start3A_330 = arith.constant 0 : i32
    %dma_start3A_331 = tpu.memref_slice %arg7[%dma_start3A_329, %dma_start3A_330] : memref<8x2048xf32, #tpu.memory_space<vmem>> -> memref<1x2048xf32, #tpu.memory_space<vmem>>
    %dma_start3A_332 = arith.constant 0 : i32
    %dma_start3A_333 = tpu.memref_slice %arg2[%min3A_318, %dma_start3A_332] : memref<16384x2048xf32, #tpu.memory_space<any>> -> memref<1x2048xf32, #tpu.memory_space<any>>
    tpu.enqueue_dma source(%dma_start3A_333 : memref<1x2048xf32, #tpu.memory_space<any>>) target(%dma_start3A_331 : memref<1x2048xf32, #tpu.memory_space<vmem>>) target_semaphore(%arg8 : memref<!tpu.dma_semaphore, #tpu.memory_space<semaphore_mem>>)
    %reduce_max3A_334 = vector.shape_cast %select_n3A_323 : vector<4x128xf32> to vector<1x4x128xf32>
    %reduce_max3A_335 = arith.constant dense<0xFF800000> : vector<1xf32>
    %reduce_max3A_336 = vector.multi_reduction <maximumf>, %reduce_max3A_334, %reduce_max3A_335 [1, 2] : vector<1x4x128xf32> to vector<1xf32>
    %reduce_max3A_337 = vector.shape_cast %reduce_max3A_336 : vector<1xf32> to vector<1x1x1xf32>
    %reduce_max3A_338 = vector.extract %reduce_max3A_337[0, 0, 0] : f32 from vector<1x1x1xf32>
    %reduce_max3A_339 = vector.shape_cast %select_n3A_328 : vector<24x128xf32> to vector<1x24x128xf32>
    %reduce_max3A_340 = arith.constant dense<0xFF800000> : vector<1xf32>
    %reduce_max3A_341 = vector.multi_reduction <maximumf>, %reduce_max3A_339, %reduce_max3A_340 [1, 2] : vector<1x24x128xf32> to vector<1xf32>
    %reduce_max3A_342 = vector.shape_cast %reduce_max3A_341 : vector<1xf32> to vector<1x1x1xf32>
    %reduce_max3A_343 = vector.extract %reduce_max3A_342[0, 0, 0] : f32 from vector<1x1x1xf32>
    %max3A_344 = arith.maximumf %reduce_max3A_338, %reduce_max3A_343 : f32
    %eq3A_345 = vector.broadcast %max3A_344 : f32 to vector<4x128xf32>
    %eq3A_346 = arith.cmpf oeq, %select_n3A_323, %eq3A_345 : vector<4x128xf32>
    %jit3A_347 = arith.constant 1073741824 : i32
    %broadcast_in_dim3A_348 = vector.broadcast %jit3A_347 : i32 to vector<4x128xi32>
    %select_n3A_349 = arith.select %eq3A_346, %get3A_4, %broadcast_in_dim3A_348 : vector<4x128xi1>, vector<4x128xi32>
    %reduce_min3A_350 = vector.shape_cast %select_n3A_349 : vector<4x128xi32> to vector<1x4x128xi32>
    %reduce_min3A_351 = arith.constant dense<2147483647> : vector<1xi32>
    %reduce_min3A_352 = vector.multi_reduction <minsi>, %reduce_min3A_350, %reduce_min3A_351 [1, 2] : vector<1x4x128xi32> to vector<1xi32>
    %reduce_min3A_353 = vector.shape_cast %reduce_min3A_352 : vector<1xi32> to vector<1x1x1xi32>
    %reduce_min3A_354 = vector.extract %reduce_min3A_353[0, 0, 0] : i32 from vector<1x1x1xi32>
    %eq3A_355 = vector.broadcast %max3A_344 : f32 to vector<24x128xf32>
    %eq3A_356 = arith.cmpf oeq, %select_n3A_328, %eq3A_355 : vector<24x128xf32>
    %jit3A_357 = arith.constant 1073741824 : i32
    %broadcast_in_dim3A_358 = vector.broadcast %jit3A_357 : i32 to vector<24x128xi32>
    %select_n3A_359 = arith.select %eq3A_356, %add3A_13, %broadcast_in_dim3A_358 : vector<24x128xi1>, vector<24x128xi32>
    %reduce_min3A_360 = vector.shape_cast %select_n3A_359 : vector<24x128xi32> to vector<1x24x128xi32>
    %reduce_min3A_361 = arith.constant dense<2147483647> : vector<1xi32>
    %reduce_min3A_362 = vector.multi_reduction <minsi>, %reduce_min3A_360, %reduce_min3A_361 [1, 2] : vector<1x24x128xi32> to vector<1xi32>
    %reduce_min3A_363 = vector.shape_cast %reduce_min3A_362 : vector<1xi32> to vector<1x1x1xi32>
    %reduce_min3A_364 = vector.extract %reduce_min3A_363[0, 0, 0] : i32 from vector<1x1x1xi32>
    %min3A_365 = arith.minsi %reduce_min3A_354, %reduce_min3A_364 : i32
    %dma_start3A_366 = arith.constant 7 : i32
    %dma_start3A_367 = arith.constant 0 : i32
    %dma_start3A_368 = tpu.memref_slice %arg7[%dma_start3A_366, %dma_start3A_367] : memref<8x2048xf32, #tpu.memory_space<vmem>> -> memref<1x2048xf32, #tpu.memory_space<vmem>>
    %dma_start3A_369 = arith.constant 0 : i32
    %dma_start3A_370 = tpu.memref_slice %arg2[%min3A_365, %dma_start3A_369] : memref<16384x2048xf32, #tpu.memory_space<any>> -> memref<1x2048xf32, #tpu.memory_space<any>>
    tpu.enqueue_dma source(%dma_start3A_370 : memref<1x2048xf32, #tpu.memory_space<any>>) target(%dma_start3A_368 : memref<1x2048xf32, #tpu.memory_space<vmem>>) target_semaphore(%arg8 : memref<!tpu.dma_semaphore, #tpu.memory_space<semaphore_mem>>)
    %dma_wait3A = arith.constant 0 : i32
    %dma_wait3A_371 = arith.constant 0 : i32
    %dma_wait3A_372 = tpu.memref_slice %arg7[%dma_wait3A, %dma_wait3A_371] : memref<8x2048xf32, #tpu.memory_space<vmem>> -> memref<1x2048xf32, #tpu.memory_space<vmem>>
    %dma_wait3A_373 = arith.constant 0 : i32
    %dma_wait3A_374 = tpu.memref_slice %arg2[%min3A, %dma_wait3A_373] : memref<16384x2048xf32, #tpu.memory_space<any>> -> memref<1x2048xf32, #tpu.memory_space<any>>
    tpu.wait_dma2 semaphore(%arg8 : memref<!tpu.dma_semaphore, #tpu.memory_space<semaphore_mem>>) src(%dma_wait3A_374 : memref<1x2048xf32, #tpu.memory_space<any>>) dst(%dma_wait3A_372 : memref<1x2048xf32, #tpu.memory_space<vmem>>)
    %dma_wait3A_375 = arith.constant 1 : i32
    %dma_wait3A_376 = arith.constant 0 : i32
    %dma_wait3A_377 = tpu.memref_slice %arg7[%dma_wait3A_375, %dma_wait3A_376] : memref<8x2048xf32, #tpu.memory_space<vmem>> -> memref<1x2048xf32, #tpu.memory_space<vmem>>
    %dma_wait3A_378 = arith.constant 0 : i32
    %dma_wait3A_379 = tpu.memref_slice %arg2[%min3A_83, %dma_wait3A_378] : memref<16384x2048xf32, #tpu.memory_space<any>> -> memref<1x2048xf32, #tpu.memory_space<any>>
    tpu.wait_dma2 semaphore(%arg8 : memref<!tpu.dma_semaphore, #tpu.memory_space<semaphore_mem>>) src(%dma_wait3A_379 : memref<1x2048xf32, #tpu.memory_space<any>>) dst(%dma_wait3A_377 : memref<1x2048xf32, #tpu.memory_space<vmem>>)
    %dma_wait3A_380 = arith.constant 2 : i32
    %dma_wait3A_381 = arith.constant 0 : i32
    %dma_wait3A_382 = tpu.memref_slice %arg7[%dma_wait3A_380, %dma_wait3A_381] : memref<8x2048xf32, #tpu.memory_space<vmem>> -> memref<1x2048xf32, #tpu.memory_space<vmem>>
    %dma_wait3A_383 = arith.constant 0 : i32
    %dma_wait3A_384 = tpu.memref_slice %arg2[%min3A_130, %dma_wait3A_383] : memref<16384x2048xf32, #tpu.memory_space<any>> -> memref<1x2048xf32, #tpu.memory_space<any>>
    tpu.wait_dma2 semaphore(%arg8 : memref<!tpu.dma_semaphore, #tpu.memory_space<semaphore_mem>>) src(%dma_wait3A_384 : memref<1x2048xf32, #tpu.memory_space<any>>) dst(%dma_wait3A_382 : memref<1x2048xf32, #tpu.memory_space<vmem>>)
    %dma_wait3A_385 = arith.constant 3 : i32
    %dma_wait3A_386 = arith.constant 0 : i32
    %dma_wait3A_387 = tpu.memref_slice %arg7[%dma_wait3A_385, %dma_wait3A_386] : memref<8x2048xf32, #tpu.memory_space<vmem>> -> memref<1x2048xf32, #tpu.memory_space<vmem>>
    %dma_wait3A_388 = arith.constant 0 : i32
    %dma_wait3A_389 = tpu.memref_slice %arg2[%min3A_177, %dma_wait3A_388] : memref<16384x2048xf32, #tpu.memory_space<any>> -> memref<1x2048xf32, #tpu.memory_space<any>>
    tpu.wait_dma2 semaphore(%arg8 : memref<!tpu.dma_semaphore, #tpu.memory_space<semaphore_mem>>) src(%dma_wait3A_389 : memref<1x2048xf32, #tpu.memory_space<any>>) dst(%dma_wait3A_387 : memref<1x2048xf32, #tpu.memory_space<vmem>>)
    %dma_wait3A_390 = arith.constant 4 : i32
    %dma_wait3A_391 = arith.constant 0 : i32
    %dma_wait3A_392 = tpu.memref_slice %arg7[%dma_wait3A_390, %dma_wait3A_391] : memref<8x2048xf32, #tpu.memory_space<vmem>> -> memref<1x2048xf32, #tpu.memory_space<vmem>>
    %dma_wait3A_393 = arith.constant 0 : i32
    %dma_wait3A_394 = tpu.memref_slice %arg2[%min3A_224, %dma_wait3A_393] : memref<16384x2048xf32, #tpu.memory_space<any>> -> memref<1x2048xf32, #tpu.memory_space<any>>
    tpu.wait_dma2 semaphore(%arg8 : memref<!tpu.dma_semaphore, #tpu.memory_space<semaphore_mem>>) src(%dma_wait3A_394 : memref<1x2048xf32, #tpu.memory_space<any>>) dst(%dma_wait3A_392 : memref<1x2048xf32, #tpu.memory_space<vmem>>)
    %dma_wait3A_395 = arith.constant 5 : i32
    %dma_wait3A_396 = arith.constant 0 : i32
    %dma_wait3A_397 = tpu.memref_slice %arg7[%dma_wait3A_395, %dma_wait3A_396] : memref<8x2048xf32, #tpu.memory_space<vmem>> -> memref<1x2048xf32, #tpu.memory_space<vmem>>
    %dma_wait3A_398 = arith.constant 0 : i32
    %dma_wait3A_399 = tpu.memref_slice %arg2[%min3A_271, %dma_wait3A_398] : memref<16384x2048xf32, #tpu.memory_space<any>> -> memref<1x2048xf32, #tpu.memory_space<any>>
    tpu.wait_dma2 semaphore(%arg8 : memref<!tpu.dma_semaphore, #tpu.memory_space<semaphore_mem>>) src(%dma_wait3A_399 : memref<1x2048xf32, #tpu.memory_space<any>>) dst(%dma_wait3A_397 : memref<1x2048xf32, #tpu.memory_space<vmem>>)
    %dma_wait3A_400 = arith.constant 6 : i32
    %dma_wait3A_401 = arith.constant 0 : i32
    %dma_wait3A_402 = tpu.memref_slice %arg7[%dma_wait3A_400, %dma_wait3A_401] : memref<8x2048xf32, #tpu.memory_space<vmem>> -> memref<1x2048xf32, #tpu.memory_space<vmem>>
    %dma_wait3A_403 = arith.constant 0 : i32
    %dma_wait3A_404 = tpu.memref_slice %arg2[%min3A_318, %dma_wait3A_403] : memref<16384x2048xf32, #tpu.memory_space<any>> -> memref<1x2048xf32, #tpu.memory_space<any>>
    tpu.wait_dma2 semaphore(%arg8 : memref<!tpu.dma_semaphore, #tpu.memory_space<semaphore_mem>>) src(%dma_wait3A_404 : memref<1x2048xf32, #tpu.memory_space<any>>) dst(%dma_wait3A_402 : memref<1x2048xf32, #tpu.memory_space<vmem>>)
    %dma_wait3A_405 = arith.constant 7 : i32
    %dma_wait3A_406 = arith.constant 0 : i32
    %dma_wait3A_407 = tpu.memref_slice %arg7[%dma_wait3A_405, %dma_wait3A_406] : memref<8x2048xf32, #tpu.memory_space<vmem>> -> memref<1x2048xf32, #tpu.memory_space<vmem>>
    %dma_wait3A_408 = arith.constant 0 : i32
    %dma_wait3A_409 = tpu.memref_slice %arg2[%min3A_365, %dma_wait3A_408] : memref<16384x2048xf32, #tpu.memory_space<any>> -> memref<1x2048xf32, #tpu.memory_space<any>>
    tpu.wait_dma2 semaphore(%arg8 : memref<!tpu.dma_semaphore, #tpu.memory_space<semaphore_mem>>) src(%dma_wait3A_409 : memref<1x2048xf32, #tpu.memory_space<any>>) dst(%dma_wait3A_407 : memref<1x2048xf32, #tpu.memory_space<vmem>>)
    %get3A_410 = arith.constant 0 : index
    %get3A_411 = arith.constant 0 : index
    %get3A_412 = vector.load %arg7[%get3A_410, %get3A_411] : memref<8x2048xf32, #tpu.memory_space<vmem>>, vector<8x2048xf32>
    %swap3A = arith.constant 0 : index
    %swap3A_413 = arith.constant 0 : index
    %swap3A_414 = vector.load %arg6[%swap3A, %swap3A_413] : memref<8x2048xf32, #tpu.memory_space<vmem>>, vector<8x2048xf32>
    tpu.vector_store %arg6[%swap3A, %swap3A_413], %get3A_412 {strides = array<i32>} : memref<8x2048xf32, #tpu.memory_space<vmem>>, vector<8x2048xf32>,
    return
  }
  func.func @transform_2(%arg0: i32) -> (i32, i32) {
    %c0_i32 = arith.constant 0 : i32
    %c0_i32_0 = arith.constant 0 : i32
    %c0_i32_1 = arith.constant 0 : i32
    return %c0_i32, %c0_i32_0 : i32, i32
  }
  func.func @transform_3(%arg0: i32) -> (i32, i32) {
    %c0_i32 = arith.constant 0 : i32
    %c0_i32_0 = arith.constant 0 : i32
    %c0_i32_1 = arith.constant 0 : i32
    return %c0_i32, %c0_i32_0 : i32, i32
  }
  func.func @transform_4(%arg0: i32) -> (i32, i32) {
    %c0_i32 = arith.constant 0 : i32
    %c0_i32_0 = arith.constant 0 : i32
    %c0_i32_1 = arith.constant 0 : i32
    return %c0_i32, %c0_i32_0 : i32, i32
  }
  func.func @transform_5(%arg0: i32) -> (i32, i32) {
    %c0_i32 = arith.constant 0 : i32
    %c0_i32_0 = arith.constant 0 : i32
    %c0_i32_1 = arith.constant 0 : i32
    return %c0_i32, %c0_i32_0 : i32, i32
  }
}

</mosaic_0001>

<sc_bundles>
// kernel: kernel.5.cloned.1.call-start
scs
__scs_entry_jumppad:
0x0: {  	(pc) =	sbr.rel $0x88, $3  }
0x1: {  	(tag) =	ssettag $0x0;
	lr =	simm.s32 $0x1  }
0x2: {  	[smem:$0x3F9F] =	sst lr;
	_ =	strace $0xD0000000  }
0x3: {  	_ = 	snop  }
0x4: {  	_ = 	snop  }
0x5: {  	_ = 	snop  }
0x6: {  	_ = 	snop  }
0x7: {  	_ = 	snop  }
__scs_overlays_trampoline_lowered:
0x8: {  	[smem:$0x3FAE] =	sst s0  }
0x9: {  	[smem:$0x3FAF] =	sst s1  }
0xa: {  	[smem:$0x3FB0] =	sst s2  }
0xb: {  	[smem:$0x3FB1] =	sst s3  }
0xc: {  	[smem:$0x3FB2] =	sst s4  }
0xd: {  	[smem:$0x3FB3] =	sst s5  }
0xe: {  	[smem:$0x3FB4] =	sst s6  }
0xf: {  	[smem:$0x3FB5] =	sst s7  }
0x10: {  	[smem:$0x3FB6] =	sst s8  }
0x11: {  	[smem:$0x3FB7] =	sst s9;
	s0 =	simm.s32 @!p0 $0x0  }
0x12: {  	s1 =	sld [smem:$0x3F9D];
	s0 =	simm.s32 @p0 $0x1  }
0x13: {  	[smem:$0x3FB8] =	sst s0;
	s0 =	simm.s32 @!p1 $0x0  }
0x14: {  	s2 =	sld [smem:$0x3F9C];
	s0 =	simm.s32 @p1 $0x1  }
0x15: {  	[smem:$0x3FB9] =	sst s0;
	s0 =	simm.s32 @!p2 $0x0  }
0x16: {  	s3 =	sld [smem:$0x3FDB];
	s0 =	simm.s32 @p2 $0x1  }
0x17: {  	s4 =	simm.s32 $0x1BF5;
	[smem:$0x3FBB] =	sst s0  }
0x18: {  	s0 =	sld [smem:$0x3F9E];
	_ =	swait.ge [sflag:s4], $0x0  }
0x19: {  	s7 =	sld [smem:$0x3F9F]  }
0x1a: {  	s8 =	sadd.s32 $0xFFFFE003, lr  }
0x1b: {  	s9 =	sadd.s32 $0xFFFFFEF7, lr;
	s5 =	simm.s32 $0xFFFFFFFF;
	p2 =	slt.u32 s8, $0xFFFFF086  }
0x1c: {  	p1 =	slt.u32 s9, $0xF7A;
	s5 =	simm.s32 @!p2 $0x0  }
0x1d: {  	s5 =	simm.s32 @p1 $0x1;
	p0 =	seq.s32 s7, s2  }
0x1e: {  	s7 =	smul.u32 @!p0 $0xF7A, s2;
	p2 =	seq.s32 @!p0 s5, $0x0  }
0x1f: {  	s9 =	smul.u32 $0xF7A, s1;
	s8 =	simm.s32 @!p0 $0x1BF5;
	p2 =	por !p2, p0  }
0x20: {  	[sflag:s8] =	ssyncset.s32 @!p0 $0xFFFFF086;
	s6 =	sadd.s32 @!p0 s3, s7;
	s7 =	simm.s32 @!p0 $0x108  }
0x21: {  	s3 =	sadd.s32 s3, s9;
	s6 =	sadd.s32 @!p0 $0x88, s6;
	s7 =	simm.s32 @p2 $0x1082  }
0x22: {  	[simem:s7], [sflag:s8] =	dma.local @!p0 [hbm:s6], $0xF7A  }
0x23: {  	s9 =	sor.u32 $0xD0000000, s2;
	s6 =	simm.s32 $0x108;
	_ =	swait.ge @!p0 [sflag:s8], $0x0  }
0x24: {  	s3 =	sadd.s32 $0x88, s3;
	s6 =	simm.s32 @!p1 $0x1082;
	[sflag:s4] =	ssyncset.s32 $0xFFFFF086  }
0x25: {  	[simem:s6], [sflag:s4] =	dma.local [hbm:s3], $0xF7A  }
0x26: {  	[smem:$0x3F9F] =	sst s1;
	(tag) =	ssettag s2;
	_ =	strace s9  }
0x27: {  	s1 =	sld [smem:$0x3FAF]  }
0x28: {  	s2 =	sld [smem:$0x3FB0]  }
0x29: {  	s4 =	sld [smem:$0x3FB2]  }
0x2a: {  	p0 =	seq.s32 s5, $0x0;
	s5 =	sld [smem:$0x3FB3]  }
0x2b: {  	s6 =	sld [smem:$0x3FB4]  }
0x2c: {  	s7 =	sld [smem:$0x3FB5]  }
0x2d: {  	s3 =	simm.s32 $0x108;
	s8 =	sld [smem:$0x3FB6]  }
0x2e: {  	s3 =	simm.s32 @!p0 $0x1082;
	s9 =	sld [smem:$0x3FB7]  }
0x2f: {  	lr =	sadd.s32 s0, s3;
	s0 =	sld [smem:$0x3FAE]  }
0x30: {  	s3 =	sld [smem:$0x3FB1]  }
0x31: {  	[smem:$0x3FBA] =	sst s10  }
0x32: {  	s10 =	sld [smem:$0x3FB8];
	_ =	sdelay $0x3  }
0x33: {  	p0 =	seq.s32 s10, $0x1;
	s10 =	sld [smem:$0x3FBA];
	_ =	sdelay $0x3  }
0x34: {  	[smem:$0x3FBA] =	sst s10  }
0x35: {  	s10 =	sld [smem:$0x3FB9];
	_ =	sdelay $0x3  }
0x36: {  	p1 =	seq.s32 s10, $0x1;
	s10 =	sld [smem:$0x3FBA];
	_ =	sdelay $0x3  }
0x37: {  	[smem:$0x3FBA] =	sst s10  }
0x38: {  	s10 =	sld [smem:$0x3FBB]  }
0x39: {  	_ = 	snop;
	(pc) =	sbr.ind lr, $3  }
0x3a: {  	_ = 	snop  }
0x3b: {  	_ = 	snop  }
0x3c: {  	p2 =	seq.s32 s10, $0x1;
	s10 =	sld [smem:$0x3FBA]  }
0x3d: {  	_ =	shalt  }
0x3e: {  	_ =	shalt  }
0x3f: {  	_ =	shalt  }
0x40: {  	_ =	shalt  }
0x41: {  	_ =	shalt  }
0x42: {  	_ =	shalt  }
0x43: {  	_ =	shalt  }
0x44: {  	_ =	shalt  }
0x45: {  	_ =	shalt  }
0x46: {  	_ =	shalt  }
0x47: {  	_ =	shalt  }
0x48: {  	_ =	shalt  }
0x49: {  	_ =	shalt  }
0x4a: {  	_ =	shalt  }
0x4b: {  	_ =	shalt  }
0x4c: {  	_ =	shalt  }
0x4d: {  	_ =	shalt  }
0x4e: {  	_ =	shalt  }
0x4f: {  	_ =	shalt  }
0x50: {  	_ =	shalt  }
0x51: {  	_ =	shalt  }
0x52: {  	_ =	shalt  }
0x53: {  	_ =	shalt  }
0x54: {  	_ =	shalt  }
0x55: {  	_ =	shalt  }
0x56: {  	_ =	shalt  }
0x57: {  	_ =	shalt  }
0x58: {  	_ =	shalt  }
0x59: {  	_ =	shalt  }
0x5a: {  	_ =	shalt  }
0x5b: {  	_ =	shalt  }
0x5c: {  	_ =	shalt  }
0x5d: {  	_ =	shalt  }
0x5e: {  	_ =	shalt  }
0x5f: {  	_ =	shalt  }
0x60: {  	_ =	shalt  }
0x61: {  	_ =	shalt  }
0x62: {  	_ =	shalt  }
0x63: {  	_ =	shalt  }
0x64: {  	_ =	shalt  }
0x65: {  	_ =	shalt  }
0x66: {  	_ =	shalt  }
0x67: {  	_ =	shalt  }
0x68: {  	_ =	shalt  }
0x69: {  	_ =	shalt  }
0x6a: {  	_ =	shalt  }
0x6b: {  	_ =	shalt  }
0x6c: {  	_ =	shalt  }
0x6d: {  	_ =	shalt  }
0x6e: {  	_ =	shalt  }
0x6f: {  	_ =	shalt  }
0x70: {  	_ =	shalt  }
0x71: {  	_ =	shalt  }
0x72: {  	_ =	shalt  }
0x73: {  	_ =	shalt  }
0x74: {  	_ =	shalt  }
0x75: {  	_ =	shalt  }
0x76: {  	_ =	shalt  }
0x77: {  	_ =	shalt  }
0x78: {  	_ =	shalt  }
0x79: {  	_ =	shalt  }
0x7a: {  	_ =	shalt  }
0x7b: {  	_ =	shalt  }
0x7c: {  	_ =	shalt  }
0x7d: {  	_ =	shalt  }
0x7e: {  	_ =	shalt  }
0x7f: {  	_ =	shalt  }
0x80: {  	_ =	shalt  }
0x81: {  	_ =	shalt  }
0x82: {  	_ =	shalt  }
0x83: {  	_ =	shalt  }
0x84: {  	_ =	shalt  }
0x85: {  	_ =	shalt  }
0x86: {  	_ =	shalt  }
0x87: {  	_ =	shalt  }
.Lfunc_end0:
.L_simem_size_0:
called_computation_lowered:
.L_overlay_start_0:
0x88: {  	s2 =	sld [smem:$0x3FD9]  }
0x89: {  	s3 =	sld [smem:$0x3FFE];
	_ =	sdelay $0x1  }
0x8a: {  	s1 =	srdreg.scid  }
0x8b: {  	s0 =	sand.u32 $0x1, s1  }
0x8c: {  	s17 =	sshll.u32 s0, $0xA;
	s2 =	sadd.s32 s3, s2  }
0x8d: {  	s2 =	sadd.s32 s2, s17  }
0x8e: {  	[smem:$0x3FC6] =	sst s2  }
0x8f: {  	_ = 	snop  }
0x90: {  	s2 =	sld [smem:$0x3FC9];
	(tm) =	ssettm $0x1  }
0x91: {  	s18 =	sld [smem:$0x3FFB];
	_ =	sdelay $0x3  }
0x92: {  	_ =	strace s18  }
0x93: {  	s3 =	sld [smem:$0x3FFC];
	_ =	sdelay $0x3  }
0x94: {  	_ =	strace s3  }
0x95: {  	s3 =	sld [smem:$0x3FFD];
	_ =	sdelay $0x3  }
0x96: {  	_ =	strace s3  }
0x97: {  	_ =	strace $0x8FFFFFFF  }
0x98: {  	s19 =	sld [smem:$0x3FDB];
	_ =	sdelay $0x1  }
0x99: {  	s4 =	simm.s32 $_scs_section_size  }
0x9a: {  	s5 =	simm.s32 $_size__tile_overlayer_lowered;
	s6 =	simm.s32 $_tile_overlayer_lowered  }
0x9b: {  	s22 =	simm.s32 $0x1BFF;
	s21 =	sshll.u32 s6, $0x1;
	s3 =	sadd.s32 s4, s19  }
0x9c: {  	s7 =	simm.s32 $0x0;
	s20 =	sshll.u32 s5, $0x1;
	s5 =	sadd.s32 s21, s3  }
0x9d: {  	[timem:s7], [sflag:s22] =	dma.local [hbm:s5], s20  }
0x9e: {  	_ =	swait.ge [sflag:s22], s20  }
0x9f: {  	s4 =	ssub.s32 $0x0, s20;
	[sflag:s22] =	ssyncset.done $0x0  }
0xa0: {  	[sflag:s22] =	ssyncadd.s32 s4;
	_ =	sdelay $0x1  }
0xa1: {  	s23 =	simm.s32 $0x1B8B  }
0xa2: {  	_ =	swait.ge [sflag:s23], $0x1  }
0xa3: {  	[sflag:s23] =	ssyncset.done $0x0  }
0xa4: {  	s25 =	simm.s32 $0x1B8E;
	s24 =	sld [smem:$0x3FFE];
	[sflag:s23] =	ssyncadd.s32 $0xFFFFFFFF  }
0xa5: {  	s26 =	simm.s32 $execute0_lowered;
	[smem:$0x3FD2] =	sst s25  }
0xa6: {  	s5 =	sshll.u32 s26, $0x1;
	_ =	strace $0x80000046;
	[dreg:$0x1] =	wrdreg $0xFFFFFFFF  }
0xa7: {  	s28 =	simm.s32 $_size_execute0_lowered;
	s3 =	sadd.s32 s3, s5;
	[dreg:$0x0] =	wrdreg $0x0  }
0xa8: {  	s5 =	sshll.u32 s28, $0x1;
	[dreg:$0x2] =	wrdreg s3  }
0xa9: {  	[dreg:$0x3] =	wrdreg s5  }
0xaa: {  	[dreg:$0x4] =	wrdreg $0xC0  }
0xab: {  	_ =	task [dreg:s7], $0x5FFFF  }
0xac: {  	[dreg:$0x1] =	wrdreg $0xFFFFFFFF  }
0xad: {  	[dreg:$0x0] =	wrdreg $0x60  }
0xae: {  	[dreg:$0x2] =	wrdreg s2  }
0xaf: {  	[dreg:$0x3] =	wrdreg s24  }
0xb0: {  	[dreg:$0x4] =	wrdreg $0x9  }
0xb1: {  	_ =	task.clear_ibuf [dreg:s7], $0x5FFFF;
	_ =	strace $0x90000046  }
0xb2: {  	s29 =	simm.s32 $0x9;
	_ =	strace $0x80000048  }
0xb3: {  	_ =	swait.ge [sflag:s29], $0x1  }
0xb4: {  	[sflag:s29] =	ssyncadd.s32 $0xFFFFFFFF  }
0xb5: {  	_ =	strace $0x90000048  }
0xb6: {  	_ =	sfence  }
0xb7: {  	s30 =	sld [smem:$0x0];
	_ =	sdelay $0x2  }
0xb8: {  	s31 =	sshll.u32 s1, $0xD;
	s1 =	sshrl.u32 s1, $0x2  }
0xb9: {  	s3 =	sand.u32 $0x4000, s31;
	s1 =	sadd.s32 s1, s30  }
0xba: {  	s0 =	sor.u32 s3, s0;
	s1 =	sshll.u32 s1, $0x11  }
0xbb: {  	s0 =	sor.u32 s1, s0  }
0xbc: {  	s0 =	sadd.s32 $0x8F2B, s0  }
0xbd: {  	[sflag:s0] =	ssyncadd.remote.s32 $0x1  }
0xbe: {  	_ =	sfence.sel $0xFFFF  }
0xbf: {  	[dreg:$0x0] =	wrdreg $0xFFFFFFFF;
	(pc) =	sbr.abs _section_cstart, $3  }
0xc0: {  	[dreg:$0x1] =	wrdreg $0xFFFFFFFF  }
0xc1: {  	_ =	task.clear_ibuf [dreg:s7], $0x2FFFF;
	_ =	strace $0x9FFFFFFF  }
0xc2: {  	(tm) =	ssettm $0x7FFFFFFF  }
0xc3: {  	_ =	shalt  }
tec
execute0_lowered:
.L_overlay_start_1:
0x0: {  	(tag) =	ssettag $0x1  }
0x1: {  	s4 =	rddreg [dreg:$0x0];
	s1 =	srdreg.scid  }
0x2: {  	s0 =	stileid.u32;
	s5 =	rddreg [dreg:$0x1];
	s2 =	simm.s32 $0x0  }
0x3: {  	s11 =	simm.s32 $0x2;
	s12 =	simm.s32 $0x10000;
	s13 =	simm.s32 $0x10080  }
0x4: {  	s14 =	simm.s32 $0x3;
	s15 =	simm.s32 $0x10100;
	s16 =	simm.s32 $0x0  }
0x5: {  	s6 =	sand.u32 $0x1, s1;
	s3 =	sshll.u32 s0, $0x1;
	[smem:$0x7FF] =	sst s2  }
0x6: {  	v0 =	vlaneseq.u32;
	vm0 =	vmmov $0x1;
	v3 =	vimm.f32 $-1.000000000e+00;
	s1 =	rddreg [dreg:$0x2];
	s7 =	sor.u32 s6, s3;
	_ =	strace $0x80000047  }
0x7: {  	vm3 =	vcmask $0xB20;
	vm4 =	vcmask $0xF20;
	vm5 =	vcmask $0x1320;
	s6 =	ssub.s32 $0x2, s6;
	s3 =	sshll.u32 s7, $0x5;
	s9 =	sshll.u32 s7, $0x1  }
0x8: {  	vm6 =	vcmask $0x1720;
	vm7 =	vcmask $0x1B20;
	vm8 =	vcmask $0x300;
	s10 =	sshrl.u32 s6, $0x1;
	s7 =	sshll.u32 s7, $0xD;
	s8 =	sor.u32 $0x10, s3  }
0x9: {  	vm9 =	vcmask $0x704;
	vm10 =	vcmask $0xB08;
	vm11 =	vcmask $0xF0C;
	s30 =	sadd.s32 s9, s5;
	s31 =	ssub.s32 s6, s10;
	s4 =	sadd.s32 s4, s7  }
0xa: {  	vm12 =	vcmask $0x1310;
	vm13 =	vcmask $0x1714;
	vm14 =	vcmask $0x1B18;
	s9 =	simm.s32 $0x8000;
	s10 =	simm.s32 $0x1;
	s5 =	sadd.s32 $0x1000, s4  }
0xb: {  	vm15 =	vcmask $0x1F1C;
	v1 =	vor.u32 s3, v0;
	v2 =	vor.u32 s8, v0;
	s6 =	sadd.s32 $0x1000, s30;
	s7 =	sadd.s32 $0x1200, s30;
	s8 =	smax.u32 s31, $0x1  }
.LBB2_1:
0xc: {  	[tilespmem:s2], [sflag:$0x1] =	stream.linear.gather [hbm4b:s4+s2], $0x8000, $0x38;
	[tilespmem:$0x10180] =	vst v63  }
0xd: {  	_ = 	snop  }
0xe: {  	[tilespmem:s9], [sflag:$0x2] =	stream.linear.gather [hbm4b:s5+s2], $0x8000, $0x38;
	[tilespmem:$0x10180] =	vst v63  }
0xf: {  	_ =	swait.ge [sflag:s10], $0x8000  }
0x10: {  	s17 =	simm.s32 $0x0;
	[sflag:s10] =	ssyncset.done $0x0  }
0x11: {  	v5 =	vimm.f32 $0.0e+00;
	s18 =	simm.s32 $0x0;
	v4 =	vimm.f32 $0.0e+00;
	s19 =	simm.s32 $0x0;
	[sflag:s10] =	ssyncadd.s32 $0xFFFF8000  }
.LBB2_2:
0x12: {  	s20 =	sshll.u32 s18, $0x2;
	s21 =	sand.u32 $0x7, s17  }
0x13: {  	s20 =	sand.u32 $0xFFFF0000, s20;
	s21 =	sshll.u32 s21, $0x9  }
0x14: {  	s20 =	sor.u32 s21, s20  }
0x15: {  	s20 =	sshrl.u32 s20, $0x2  }
0x16: {  	s20 =	sor.u32 $0x40, s20  }
0x17: {  	v6 =	vmov s20;
	_ =	sdelay $0x3  }
0x18: {  	s31 =	simm.s32 $0x0  }
0x19: {  	v7 =	vld.idx.msk [tilespmem:v6+s31+$0x0 ss:$0x1], $0xffff  }
0x1a: {  	v8 =	vld.idx.msk [tilespmem:v6+s31+$0x10 ss:$0x1], $0xffff  }
0x1b: {  	v9 =	vld.idx.msk [tilespmem:v6+s31+$0xFFFFFFC0 ss:$0x1], $0xffff  }
0x1c: {  	v11 =	vld.idx.msk [tilespmem:v6+s31+$0xFFFFFFD0 ss:$0x1], $0xffff  }
0x1d: {  	v15 =	vld.idx.msk [tilespmem:v6+s31+$0xFFFFFFE0 ss:$0x1], $0xffff  }
0x1e: {  	v16 =	vld.idx.msk [tilespmem:v6+s31+$0xFFFFFFF0 ss:$0x1], $0xffff  }
0x1f: {  	v17 =	vld.idx.msk [tilespmem:v6+s31+$0x20 ss:$0x1], $0xffff  }
0x20: {  	s20 =	simm.s32 $0x400;
	v12 =	vld.idx.msk [tilespmem:v6+s31+$0x30 ss:$0x1], $0xffff  }
0x21: {  	v10 =	vld.idx.msk [tilespmem:v6+s20+$0x0 ss:$0x1], $0xffff;
	v13 =	vmul.f32 v7, v7  }
0x22: {  	v7 =	vld.idx.msk [tilespmem:v6+s20+$0x10 ss:$0x1], $0xffff;
	v18 =	vmul.f32 v9, v9;
	v11 =	vmul.f32 v11, v11  }
0x23: {  	v14 =	vmul.f32 v8, v8;
	v8 =	vld.idx.msk [tilespmem:v6+s20+$0xFFFFFFC0 ss:$0x1], $0xffff;
	v20 =	vmul.f32 v15, v15  }
0x24: {  	v9 =	vld.idx.msk [tilespmem:v6+s20+$0xFFFFFFD0 ss:$0x1], $0xffff;
	v21 =	vmul.f32 v16, v16;
	v17 =	vmul.f32 v17, v17;
	v16 =	vimm.f32 $0.0e+00  }
0x25: {  	s21 =	simm.s32 $0x2000;
	v15 =	vimm.f32 $0.0e+00;
	v19 =	vadd.f32 v18, v5;
	v18 =	vadd.f32 v11, v5;
	v11 =	vld.idx.msk [tilespmem:v6+s20+$0xFFFFFFE0 ss:$0x1], $0xffff  }
.LBB2_3:
0x26: {  	p0 =	sne.s32 s21, $0xF000;
	v22 =	vld.idx.msk [tilespmem:v6+s20+$0xFFFFFFF0 ss:$0x1], $0xffff;
	v16 =	vadd.f32 v20, v16;
	v15 =	vadd.f32 v21, v15;
	v20 =	vmul.f32 v12, v12  }
0x27: {  	v23 =	vld.idx.msk [tilespmem:v6+s20+$0x20 ss:$0x1], $0xffff;
	v19 =	vadd.f32 v13, v19;
	v18 =	vadd.f32 v14, v18;
	v13 =	vmov v10  }
0x28: {  	v12 =	vld.idx.msk [tilespmem:v6+s20+$0x30 ss:$0x1], $0xffff;
	s20 =	sshra.s32 s21, $0x2;
	v16 =	vadd.f32 v17, v16;
	v15 =	vadd.f32 v20, v15  }
.Ltmp0:
0x29: {  	v10 =	vld.idx.msk [tilespmem:v6+s20+$0x0 ss:$0x1], $0xffff;
	(pc) =	sbr.rel @p0 .LBB2_3-.Ltmp0, $4  }
0x2a: {  	v14 =	vmul.f32 v7, v7;
	v13 =	vmul.f32 v13, v13;
	v7 =	vld.idx.msk [tilespmem:v6+s20+$0x10 ss:$0x1], $0xffff  }
0x2b: {  	v17 =	vmul.f32 v8, v8;
	v24 =	vmul.f32 v9, v9;
	v8 =	vld.idx.msk [tilespmem:v6+s20+$0xFFFFFFC0 ss:$0x1], $0xffff  }
0x2c: {  	v20 =	vmul.f32 v11, v11;
	v21 =	vmul.f32 v22, v22;
	v9 =	vld.idx.msk [tilespmem:v6+s20+$0xFFFFFFD0 ss:$0x1], $0xffff  }
0x2d: {  	s21 =	sadd.s32 $0x1000, s21;
	v19 =	vadd.f32 v17, v19;
	v18 =	vadd.f32 v24, v18;
	v17 =	vmul.f32 v23, v23;
	v11 =	vld.idx.msk [tilespmem:v6+s20+$0xFFFFFFE0 ss:$0x1], $0xffff  }
0x2e: {  	_ =	sdelay $0x3  }
0x2f: {  	v22 =	vld.idx.msk [tilespmem:v6+s20+$0xFFFFFFF0 ss:$0x1], $0xffff  }
0x30: {  	v16 =	vadd.f32 v20, v16;
	v60 =	vld.idx.msk [tilespmem:v6+s20+$0x20 ss:$0x1], $0xffff  }
0x31: {  	v15 =	vadd.f32 v21, v15;
	v12 =	vmul.f32 v12, v12;
	v6 =	vld.idx.msk [tilespmem:v6+s20+$0x30 ss:$0x1], $0xffff;
	v10 =	vmul.f32 v10, v10  }
0x32: {  	v13 =	vadd.f32 v13, v19;
	v14 =	vadd.f32 v14, v18;
	v7 =	vmul.f32 v7, v7  }
0x33: {  	v16 =	vadd.f32 v17, v16;
	v8 =	vmul.f32 v8, v8;
	v9 =	vmul.f32 v9, v9  }
0x34: {  	v12 =	vadd.f32 v12, v15;
	v11 =	vmul.f32 v11, v11;
	v61 =	vmul.f32 v22, v22  }
0x35: {  	v8 =	vadd.f32 v8, v13;
	v9 =	vadd.f32 v9, v14;
	v62 =	vmul.f32 v60, v60  }
0x36: {  	v6 =	vmul.f32 v6, v6;
	v11 =	vadd.f32 v11, v16;
	v12 =	vadd.f32 v61, v12  }
0x37: {  	v8 =	vadd.f32 v10, v8;
	v7 =	vadd.f32 v7, v9  }
0x38: {  	v63 =	vadd.f32 v62, v11;
	v6 =	vadd.f32 v6, v12;
	_ =	sdelay $0x1  }
0x39: {  	v7 =	vadd.f32 v7, v8;
	v6 =	vadd.f32 v6, v63;
	_ =	sdelay $0x1  }
0x3a: {  	v6 =	vadd.f32 v6, v7;
	_ =	sdelay $0x1  }
0x3b: {  	(xrf2) =	vadd.scan.msk.f32 $0xffff, v6;
	_ =	sdelay $0x6  }
0x3c: {  	v7 =	vmov s19;
	s19 =	sadd.s32 $0x1, s19  }
0x3d: {  	p0 =	sne.s32 s19, $0x10  }
.Ltmp1:
0x3e: {  	_ = 	snop;
	(pc) =	sbr.rel @p0 .LBB2_2-.Ltmp1, $4  }
0x3f: {  	v6, _, _ =	vpop (xrf2)  }
0x40: {  	v6 =	vbroadcast v6, $0xF  }
0x41: {  	vm1 =	veq.s32 v7, v0  }
0x42: {  	s18 =	sadd.s32 $0x800, s18;
	s17 =	sadd.s32 $0x1, s17;
	v4 =	vsel vm1, v6, v4  }
0x43: {  	[tilespmem:$0x10000] =	vst v4  }
0x44: {  	_ =	swait.ge [sflag:s11], $0x8000  }
0x45: {  	s17 =	simm.s32 $0x0;
	[sflag:s11] =	ssyncset.done $0x0  }
0x46: {  	v6 =	vimm.f32 $0.0e+00;
	s18 =	simm.s32 $0x0;
	v5 =	vimm.f32 $0.0e+00;
	s19 =	simm.s32 $0x0;
	[sflag:s11] =	ssyncadd.s32 $0xFFFF8000  }
.LBB2_6:
0x47: {  	s20 =	sshll.u32 s18, $0x2;
	s21 =	sand.u32 $0x7, s17  }
0x48: {  	s20 =	sand.u32 $0xFFFF0000, s20;
	s21 =	sshll.u32 s21, $0x9  }
0x49: {  	s20 =	sor.u32 s21, s20  }
0x4a: {  	s20 =	sshrl.u32 s20, $0x2  }
0x4b: {  	s20 =	sadd.s32 $0x8040, s20  }
0x4c: {  	v7 =	vmov s20;
	_ =	sdelay $0x3  }
0x4d: {  	s31 =	simm.s32 $0x0  }
0x4e: {  	v8 =	vld.idx.msk [tilespmem:v7+s31+$0x0 ss:$0x1], $0xffff  }
0x4f: {  	v9 =	vld.idx.msk [tilespmem:v7+s31+$0x10 ss:$0x1], $0xffff  }
0x50: {  	v10 =	vld.idx.msk [tilespmem:v7+s31+$0xFFFFFFC0 ss:$0x1], $0xffff  }
0x51: {  	v12 =	vld.idx.msk [tilespmem:v7+s31+$0xFFFFFFD0 ss:$0x1], $0xffff  }
0x52: {  	v16 =	vld.idx.msk [tilespmem:v7+s31+$0xFFFFFFE0 ss:$0x1], $0xffff  }
0x53: {  	v17 =	vld.idx.msk [tilespmem:v7+s31+$0xFFFFFFF0 ss:$0x1], $0xffff  }
0x54: {  	v18 =	vld.idx.msk [tilespmem:v7+s31+$0x20 ss:$0x1], $0xffff  }
0x55: {  	s20 =	simm.s32 $0x400;
	v13 =	vld.idx.msk [tilespmem:v7+s31+$0x30 ss:$0x1], $0xffff  }
0x56: {  	v11 =	vld.idx.msk [tilespmem:v7+s20+$0x0 ss:$0x1], $0xffff;
	v14 =	vmul.f32 v8, v8  }
0x57: {  	v8 =	vld.idx.msk [tilespmem:v7+s20+$0x10 ss:$0x1], $0xffff;
	v19 =	vmul.f32 v10, v10;
	v12 =	vmul.f32 v12, v12  }
0x58: {  	v15 =	vmul.f32 v9, v9;
	v9 =	vld.idx.msk [tilespmem:v7+s20+$0xFFFFFFC0 ss:$0x1], $0xffff;
	v21 =	vmul.f32 v16, v16  }
0x59: {  	v10 =	vld.idx.msk [tilespmem:v7+s20+$0xFFFFFFD0 ss:$0x1], $0xffff;
	v22 =	vmul.f32 v17, v17;
	v18 =	vmul.f32 v18, v18;
	v17 =	vimm.f32 $0.0e+00  }
0x5a: {  	s21 =	simm.s32 $0x2000;
	v16 =	vimm.f32 $0.0e+00;
	v20 =	vadd.f32 v19, v6;
	v19 =	vadd.f32 v12, v6;
	v12 =	vld.idx.msk [tilespmem:v7+s20+$0xFFFFFFE0 ss:$0x1], $0xffff  }
.LBB2_7:
0x5b: {  	p0 =	sne.s32 s21, $0xF000;
	v23 =	vld.idx.msk [tilespmem:v7+s20+$0xFFFFFFF0 ss:$0x1], $0xffff;
	v17 =	vadd.f32 v21, v17;
	v16 =	vadd.f32 v22, v16;
	v21 =	vmul.f32 v13, v13  }
0x5c: {  	v24 =	vld.idx.msk [tilespmem:v7+s20+$0x20 ss:$0x1], $0xffff;
	v20 =	vadd.f32 v14, v20;
	v19 =	vadd.f32 v15, v19;
	v14 =	vmov v11  }
0x5d: {  	v13 =	vld.idx.msk [tilespmem:v7+s20+$0x30 ss:$0x1], $0xffff;
	s20 =	sshra.s32 s21, $0x2;
	v17 =	vadd.f32 v18, v17;
	v16 =	vadd.f32 v21, v16  }
.Ltmp2:
0x5e: {  	v11 =	vld.idx.msk [tilespmem:v7+s20+$0x0 ss:$0x1], $0xffff;
	(pc) =	sbr.rel @p0 .LBB2_7-.Ltmp2, $4  }
0x5f: {  	v15 =	vmul.f32 v8, v8;
	v14 =	vmul.f32 v14, v14;
	v8 =	vld.idx.msk [tilespmem:v7+s20+$0x10 ss:$0x1], $0xffff  }
0x60: {  	v18 =	vmul.f32 v9, v9;
	v25 =	vmul.f32 v10, v10;
	v9 =	vld.idx.msk [tilespmem:v7+s20+$0xFFFFFFC0 ss:$0x1], $0xffff  }
0x61: {  	v21 =	vmul.f32 v12, v12;
	v22 =	vmul.f32 v23, v23;
	v10 =	vld.idx.msk [tilespmem:v7+s20+$0xFFFFFFD0 ss:$0x1], $0xffff  }
0x62: {  	s21 =	sadd.s32 $0x1000, s21;
	v20 =	vadd.f32 v18, v20;
	v19 =	vadd.f32 v25, v19;
	v18 =	vmul.f32 v24, v24;
	v12 =	vld.idx.msk [tilespmem:v7+s20+$0xFFFFFFE0 ss:$0x1], $0xffff  }
0x63: {  	_ =	sdelay $0x3  }
0x64: {  	v23 =	vld.idx.msk [tilespmem:v7+s20+$0xFFFFFFF0 ss:$0x1], $0xffff  }
0x65: {  	v17 =	vadd.f32 v21, v17;
	v60 =	vld.idx.msk [tilespmem:v7+s20+$0x20 ss:$0x1], $0xffff  }
0x66: {  	v16 =	vadd.f32 v22, v16;
	v13 =	vmul.f32 v13, v13;
	v7 =	vld.idx.msk [tilespmem:v7+s20+$0x30 ss:$0x1], $0xffff;
	v11 =	vmul.f32 v11, v11  }
0x67: {  	v14 =	vadd.f32 v14, v20;
	v15 =	vadd.f32 v15, v19;
	v8 =	vmul.f32 v8, v8  }
0x68: {  	v17 =	vadd.f32 v18, v17;
	v9 =	vmul.f32 v9, v9;
	v10 =	vmul.f32 v10, v10  }
0x69: {  	v13 =	vadd.f32 v13, v16;
	v12 =	vmul.f32 v12, v12;
	v61 =	vmul.f32 v23, v23  }
0x6a: {  	v9 =	vadd.f32 v9, v14;
	v10 =	vadd.f32 v10, v15;
	v62 =	vmul.f32 v60, v60  }
0x6b: {  	v7 =	vmul.f32 v7, v7;
	v12 =	vadd.f32 v12, v17;
	v13 =	vadd.f32 v61, v13  }
0x6c: {  	v9 =	vadd.f32 v11, v9;
	v8 =	vadd.f32 v8, v10  }
0x6d: {  	v63 =	vadd.f32 v62, v12;
	v7 =	vadd.f32 v7, v13;
	_ =	sdelay $0x1  }
0x6e: {  	v8 =	vadd.f32 v8, v9;
	v7 =	vadd.f32 v7, v63;
	_ =	sdelay $0x1  }
0x6f: {  	v7 =	vadd.f32 v7, v8;
	_ =	sdelay $0x1  }
0x70: {  	(xrf2) =	vadd.scan.msk.f32 $0xffff, v7;
	_ =	sdelay $0x6  }
0x71: {  	v8 =	vmov s19;
	s19 =	sadd.s32 $0x1, s19  }
0x72: {  	p0 =	sne.s32 s19, $0x10  }
.Ltmp3:
0x73: {  	_ = 	snop;
	(pc) =	sbr.rel @p0 .LBB2_6-.Ltmp3, $4  }
0x74: {  	v7, _, _ =	vpop (xrf2)  }
0x75: {  	v7 =	vbroadcast v7, $0xF  }
0x76: {  	vm1 =	veq.s32 v8, v0  }
0x77: {  	s18 =	sadd.s32 $0x800, s18;
	s17 =	sadd.s32 $0x1, s17;
	v5 =	vsel vm1, v7, v5  }
0x78: {  	vm1 =	vge.f32 v4, $-2.000000000e+00  }
0x79: {  	v4 =	vnsel vm1, $0xC0000000, v4;
	v6 =	vnsel vm1, $0x40000000, v1  }
0x7a: {  	vm1 =	veq.f32 v5, v4;
	vm2 =	vlt.u32 v2, v6  }
0x7b: {  	vm1 =	vmand vm2, vm1;
	vm2 =	vgt.f32 v5, v4  }
0x7c: {  	vm1 =	vmor vm2, vm1  }
0x7d: {  	v7 =	vsel vm1, v5, v4  }
0x7e: {  	(xrf0) =	vmax.scan.msk.f32 $0xffff, v7;
	_ =	sdelay $0x5  }
0x7f: {  	v4, _, _ =	vpop (xrf0)  }
0x80: {  	v4 =	vbroadcast v4, $0xF  }
0x81: {  	v6 =	vsel vm1, v2, v6  }
0x82: {  	v6 =	vor.u32 $0x80000000, v6;
	vm1 =	veq.f32 v7, v4  }
0x83: {  	v6 =	vnsel vm1, $0xC0000000, v6  }
0x84: {  	(xrf0) =	vmin.scan.msk.u32 $0xffff, v6;
	_ =	sdelay $0x5  }
0x85: {  	v6, _, _ =	vpop (xrf0)  }
0x86: {  	(v2sf) =	vpush v6, $0xF;
	_ =	sdelay $0xe  }
0x87: {  	s17 =	spop (v2sf)  }
0x88: {  	s17 =	sxor.u32 $0x80000000, s17  }
0x89: {  	s18 =	ssub.s32 s17, s3  }
0x8a: {  	v35 =	vmov s18;
	_ =	sdelay $0x3  }
0x8b: {  	[tilespmem:$0x10010] =	vst v5  }
0x8c: {  	[tilespmem:v35+s12+$0x0] =	vst.idx.msk $0x1, v3  }
0x8d: {  	v5 =	vld [tilespmem:$0x10000];
	_ =	sdelay $0x1  }
0x8e: {  	v6 =	vld [tilespmem:$0x10010];
	_ =	sdelay $0x2  }
0x8f: {  	vm1 =	vge.f32 v5, $-2.000000000e+00  }
0x90: {  	v5 =	vnsel vm1, $0xC0000000, v5;
	v36 =	vnsel vm1, $0x40000000, v1  }
0x91: {  	vm1 =	veq.f32 v6, v5;
	vm2 =	vlt.u32 v2, v36  }
0x92: {  	vm1 =	vmand vm2, vm1;
	vm2 =	vgt.f32 v6, v5  }
0x93: {  	vm1 =	vmor vm2, vm1  }
0x94: {  	v6 =	vsel vm1, v6, v5  }
0x95: {  	(xrf0) =	vmax.scan.msk.f32 $0xffff, v6;
	_ =	sdelay $0x5  }
0x96: {  	v5, _, _ =	vpop (xrf0)  }
0x97: {  	v5 =	vbroadcast v5, $0xF  }
0x98: {  	v7 =	vsel vm1, v2, v36  }
0x99: {  	v37 =	vor.u32 $0x80000000, v7;
	vm1 =	veq.f32 v6, v5  }
0x9a: {  	v6 =	vnsel vm1, $0xC0000000, v37  }
0x9b: {  	(xrf0) =	vmin.scan.msk.u32 $0xffff, v6;
	_ =	sdelay $0x5  }
0x9c: {  	v6, _, _ =	vpop (xrf0)  }
0x9d: {  	(v2sf) =	vpush v6, $0xF;
	_ =	sdelay $0xe  }
0x9e: {  	s23 =	spop (v2sf)  }
0x9f: {  	s18 =	sxor.u32 $0x80000000, s23  }
0xa0: {  	s19 =	ssub.s32 s18, s3  }
0xa1: {  	v38 =	vmov s19;
	_ =	sdelay $0x4  }
0xa2: {  	[tilespmem:v38+s12+$0x0] =	vst.idx.msk $0x1, v3  }
0xa3: {  	v6 =	vld [tilespmem:$0x10000];
	_ =	sdelay $0x1  }
0xa4: {  	v39 =	vld [tilespmem:$0x10010];
	_ =	sdelay $0x2  }
0xa5: {  	vm1 =	vge.f32 v6, $-2.000000000e+00  }
0xa6: {  	v6 =	vnsel vm1, $0xC0000000, v6;
	v8 =	vnsel vm1, $0x40000000, v1  }
0xa7: {  	vm1 =	veq.f32 v39, v6;
	vm2 =	vlt.u32 v2, v8  }
0xa8: {  	vm1 =	vmand vm2, vm1;
	vm2 =	vgt.f32 v39, v6  }
0xa9: {  	vm1 =	vmor vm2, vm1  }
0xaa: {  	v7 =	vsel vm1, v39, v6  }
0xab: {  	(xrf0) =	vmax.scan.msk.f32 $0xffff, v7;
	_ =	sdelay $0x5  }
0xac: {  	v40, _, _ =	vpop (xrf0)  }
0xad: {  	v6 =	vbroadcast v40, $0xF  }
0xae: {  	v8 =	vsel vm1, v2, v8  }
0xaf: {  	v41 =	vor.u32 $0x80000000, v8;
	vm1 =	veq.f32 v7, v6  }
0xb0: {  	v7 =	vnsel vm1, $0xC0000000, v41  }
0xb1: {  	(xrf0) =	vmin.scan.msk.u32 $0xffff, v7;
	_ =	sdelay $0x5  }
0xb2: {  	v7, _, _ =	vpop (xrf0)  }
0xb3: {  	(v2sf) =	vpush v7, $0xF;
	_ =	sdelay $0xe  }
0xb4: {  	s24 =	spop (v2sf)  }
0xb5: {  	s19 =	sxor.u32 $0x80000000, s24  }
0xb6: {  	s20 =	ssub.s32 s19, s3  }
0xb7: {  	v42 =	vmov s20;
	_ =	sdelay $0x4  }
0xb8: {  	[tilespmem:v42+s12+$0x0] =	vst.idx.msk $0x1, v3  }
0xb9: {  	v7 =	vld [tilespmem:$0x10000];
	_ =	sdelay $0x1  }
0xba: {  	v43 =	vld [tilespmem:$0x10010];
	_ =	sdelay $0x2  }
0xbb: {  	vm1 =	vge.f32 v7, $-2.000000000e+00  }
0xbc: {  	v7 =	vnsel vm1, $0xC0000000, v7;
	v9 =	vnsel vm1, $0x40000000, v1  }
0xbd: {  	vm1 =	veq.f32 v43, v7;
	vm2 =	vlt.u32 v2, v9  }
0xbe: {  	vm1 =	vmand vm2, vm1;
	vm2 =	vgt.f32 v43, v7  }
0xbf: {  	vm1 =	vmor vm2, vm1  }
0xc0: {  	v7 =	vsel vm1, v43, v7  }
0xc1: {  	(xrf0) =	vmax.scan.msk.f32 $0xffff, v7;
	_ =	sdelay $0x5  }
0xc2: {  	v44, _, _ =	vpop (xrf0)  }
0xc3: {  	v8 =	vbroadcast v44, $0xF  }
0xc4: {  	v9 =	vsel vm1, v2, v9  }
0xc5: {  	v45 =	vor.u32 $0x80000000, v9;
	vm1 =	veq.f32 v7, v8  }
0xc6: {  	v7 =	vnsel vm1, $0xC0000000, v45  }
0xc7: {  	(xrf0) =	vmin.scan.msk.u32 $0xffff, v7;
	_ =	sdelay $0x5  }
0xc8: {  	v7, _, _ =	vpop (xrf0)  }
0xc9: {  	(v2sf) =	vpush v7, $0xF;
	_ =	sdelay $0xe  }
0xca: {  	s25 =	spop (v2sf)  }
0xcb: {  	s20 =	sxor.u32 $0x80000000, s25  }
0xcc: {  	s21 =	ssub.s32 s20, s3  }
0xcd: {  	v46 =	vmov s21;
	_ =	sdelay $0x4  }
0xce: {  	[tilespmem:v46+s12+$0x0] =	vst.idx.msk $0x1, v3  }
0xcf: {  	v7 =	vld [tilespmem:$0x10000];
	_ =	sdelay $0x1  }
0xd0: {  	v47 =	vld [tilespmem:$0x10010];
	_ =	sdelay $0x2  }
0xd1: {  	vm1 =	vge.f32 v7, $-2.000000000e+00  }
0xd2: {  	v7 =	vnsel vm1, $0xC0000000, v7;
	v10 =	vnsel vm1, $0x40000000, v1  }
0xd3: {  	vm1 =	veq.f32 v47, v7;
	vm2 =	vlt.u32 v2, v10  }
0xd4: {  	vm1 =	vmand vm2, vm1;
	vm2 =	vgt.f32 v47, v7  }
0xd5: {  	vm1 =	vmor vm2, vm1  }
0xd6: {  	v7 =	vsel vm1, v47, v7  }
0xd7: {  	(xrf0) =	vmax.scan.msk.f32 $0xffff, v7;
	_ =	sdelay $0x5  }
0xd8: {  	v48, _, _ =	vpop (xrf0)  }
0xd9: {  	v9 =	vbroadcast v48, $0xF  }
0xda: {  	v10 =	vsel vm1, v2, v10  }
0xdb: {  	v49 =	vor.u32 $0x80000000, v10;
	vm1 =	veq.f32 v7, v9  }
0xdc: {  	v7 =	vnsel vm1, $0xC0000000, v49  }
0xdd: {  	(xrf0) =	vmin.scan.msk.u32 $0xffff, v7;
	_ =	sdelay $0x5  }
0xde: {  	v7, _, _ =	vpop (xrf0)  }
0xdf: {  	(v2sf) =	vpush v7, $0xF;
	_ =	sdelay $0xe  }
0xe0: {  	s26 =	spop (v2sf)  }
0xe1: {  	s21 =	sxor.u32 $0x80000000, s26  }
0xe2: {  	s22 =	ssub.s32 s21, s3  }
0xe3: {  	v50 =	vmov s22;
	_ =	sdelay $0x4  }
0xe4: {  	[tilespmem:v50+s12+$0x0] =	vst.idx.msk $0x1, v3  }
0xe5: {  	v7 =	vld [tilespmem:$0x10000];
	_ =	sdelay $0x1  }
0xe6: {  	v51 =	vld [tilespmem:$0x10010];
	_ =	sdelay $0x2  }
0xe7: {  	vm1 =	vge.f32 v7, $-2.000000000e+00  }
0xe8: {  	v7 =	vnsel vm1, $0xC0000000, v7;
	v11 =	vnsel vm1, $0x40000000, v1  }
0xe9: {  	vm1 =	veq.f32 v51, v7;
	vm2 =	vlt.u32 v2, v11  }
0xea: {  	vm1 =	vmand vm2, vm1;
	vm2 =	vgt.f32 v51, v7  }
0xeb: {  	vm1 =	vmor vm2, vm1  }
0xec: {  	v7 =	vsel vm1, v51, v7  }
0xed: {  	(xrf0) =	vmax.scan.msk.f32 $0xffff, v7;
	_ =	sdelay $0x5  }
0xee: {  	v52, _, _ =	vpop (xrf0)  }
0xef: {  	v10 =	vbroadcast v52, $0xF  }
0xf0: {  	v11 =	vsel vm1, v2, v11  }
0xf1: {  	v53 =	vor.u32 $0x80000000, v11;
	vm1 =	veq.f32 v7, v10  }
0xf2: {  	v7 =	vnsel vm1, $0xC0000000, v53  }
0xf3: {  	(xrf0) =	vmin.scan.msk.u32 $0xffff, v7;
	_ =	sdelay $0x5  }
0xf4: {  	v7, _, _ =	vpop (xrf0)  }
0xf5: {  	(v2sf) =	vpush v7, $0xF;
	_ =	sdelay $0xe  }
0xf6: {  	s28 =	spop (v2sf)  }
0xf7: {  	s22 =	sxor.u32 $0x80000000, s28  }
0xf8: {  	s23 =	ssub.s32 s22, s3  }
0xf9: {  	v54 =	vmov s23;
	_ =	sdelay $0x4  }
0xfa: {  	[tilespmem:v54+s12+$0x0] =	vst.idx.msk $0x1, v3  }
0xfb: {  	v7 =	vld [tilespmem:$0x10000];
	_ =	sdelay $0x1  }
0xfc: {  	v55 =	vld [tilespmem:$0x10010];
	_ =	sdelay $0x2  }
0xfd: {  	vm1 =	vge.f32 v7, $-2.000000000e+00  }
0xfe: {  	v7 =	vnsel vm1, $0xC0000000, v7;
	v12 =	vnsel vm1, $0x40000000, v1  }
0xff: {  	vm1 =	veq.f32 v55, v7;
	vm2 =	vlt.u32 v2, v12  }
0x100: {  	vm1 =	vmand vm2, vm1;
	vm2 =	vgt.f32 v55, v7  }
0x101: {  	vm1 =	vmor vm2, vm1  }
0x102: {  	v7 =	vsel vm1, v55, v7  }
0x103: {  	(xrf0) =	vmax.scan.msk.f32 $0xffff, v7;
	_ =	sdelay $0x5  }
0x104: {  	v56, _, _ =	vpop (xrf0)  }
0x105: {  	v11 =	vbroadcast v56, $0xF  }
0x106: {  	v12 =	vsel vm1, v2, v12  }
0x107: {  	v57 =	vor.u32 $0x80000000, v12;
	vm1 =	veq.f32 v7, v11  }
0x108: {  	v7 =	vnsel vm1, $0xC0000000, v57  }
0x109: {  	(xrf0) =	vmin.scan.msk.u32 $0xffff, v7;
	_ =	sdelay $0x5  }
0x10a: {  	v7, _, _ =	vpop (xrf0)  }
0x10b: {  	(v2sf) =	vpush v7, $0xF;
	_ =	sdelay $0xe  }
0x10c: {  	s29 =	spop (v2sf)  }
0x10d: {  	s23 =	sxor.u32 $0x80000000, s29  }
0x10e: {  	s24 =	ssub.s32 s23, s3  }
0x10f: {  	v58 =	vmov s24;
	_ =	sdelay $0x4  }
0x110: {  	[tilespmem:v58+s12+$0x0] =	vst.idx.msk $0x1, v3  }
0x111: {  	v7 =	vld [tilespmem:$0x10000];
	_ =	sdelay $0x1  }
0x112: {  	v59 =	vld [tilespmem:$0x10010];
	_ =	sdelay $0x2  }
0x113: {  	vm1 =	vge.f32 v7, $-2.000000000e+00  }
0x114: {  	v7 =	vnsel vm1, $0xC0000000, v7;
	v13 =	vnsel vm1, $0x40000000, v1  }
0x115: {  	vm1 =	veq.f32 v59, v7;
	vm2 =	vlt.u32 v2, v13  }
0x116: {  	vm1 =	vmand vm2, vm1;
	vm2 =	vgt.f32 v59, v7  }
0x117: {  	vm1 =	vmor vm2, vm1  }
0x118: {  	v7 =	vsel vm1, v59, v7  }
0x119: {  	(xrf0) =	vmax.scan.msk.f32 $0xffff, v7;
	_ =	sdelay $0x5  }
0x11a: {  	v60, _, _ =	vpop (xrf0)  }
0x11b: {  	v12 =	vbroadcast v60, $0xF  }
0x11c: {  	v13 =	vsel vm1, v2, v13  }
0x11d: {  	v61 =	vor.u32 $0x80000000, v13;
	vm1 =	veq.f32 v7, v12  }
0x11e: {  	v7 =	vnsel vm1, $0xC0000000, v61  }
0x11f: {  	(xrf0) =	vmin.scan.msk.u32 $0xffff, v7;
	_ =	sdelay $0x5  }
0x120: {  	v7, _, _ =	vpop (xrf0)  }
0x121: {  	(v2sf) =	vpush v7, $0xF;
	_ =	sdelay $0xe  }
0x122: {  	s30 =	spop (v2sf)  }
0x123: {  	v4 =	vnsel vm0, $0xBF800000, v4;
	v62 =	vmov s17;
	vm1 =	vcmask $0x320;
	s24 =	sxor.u32 $0x80000000, s30  }
0x124: {  	v4 =	vsel vm1, v4, v5;
	v5 =	vnsel vm8, $0x40000000, v62;
	vm1 =	vcmask $0x720;
	s31 =	ssub.s32 s24, s3  }
0x125: {  	v4 =	vsel vm1, v4, v6;
	v5 =	vsel vm9, s18, v5;
	v63 =	vmov s31  }
0x126: {  	v4 =	vsel vm3, v4, v8;
	v5 =	vsel vm10, s19, v5  }
0x127: {  	v4 =	vsel vm4, v4, v9;
	v5 =	vsel vm11, s20, v5  }
0x128: {  	v4 =	vsel vm5, v4, v10;
	v5 =	vsel vm12, s21, v5  }
0x129: {  	v4 =	vsel vm6, v4, v11;
	v5 =	vsel vm13, s22, v5  }
0x12a: {  	v4 =	vsel vm7, v4, v12;
	v5 =	vsel vm14, s23, v5;
	[tilespmem:v63+s12+$0x0] =	vst.idx.msk $0x1, v3  }
0x12b: {  	v5 =	vsel vm15, s24, v5;
	[tilespmem:$0x10080] =	vst v4  }
0x12c: {  	[tilespmem:$0x10100] =	vst v5  }
0x12d: {  	[hbm4b:s6+s2] =	stream.linear.scatter [tilespmem:s13], [sflag:$0x3], $0x10, $0x38;
	[tilespmem:$0x10180] =	vst v63  }
0x12e: {  	s16 =	sadd.s32 $0x1, s16;
	_ =	swait.ge [sflag:s14], $0x10  }
0x12f: {  	p0 =	sne.s32 s16, s8;
	[sflag:s14] =	ssyncset.done $0x0  }
.Ltmp4:
0x130: {  	[sflag:s14] =	ssyncadd.s32 $0xFFFFFFF0;
	(pc) =	sbr.rel @p0 .LBB2_1-.Ltmp4, $4  }
0x131: {  	[hbm4b:s7+s2] =	stream.linear.scatter [tilespmem:s15], [sflag:$0x3], $0x10, $0x38;
	[tilespmem:$0x10180] =	vst v63  }
0x132: {  	_ =	swait.ge [sflag:s14], $0x10  }
0x133: {  	[sflag:s14] =	ssyncset.done $0x0  }
0x134: {  	[sflag:s14] =	ssyncadd.s32 $0xFFFFFFF0  }
0x135: {  	_ =	sfence.sel $0x180000  }
0x136: {  	[bflag:$0x0] =	sbarrier.arrive $0xFFFF  }
0x137: {  	p0 =	sne.s32 s0, $0x0;
	_ =	strace $0x90000047  }
0x138: {  	s0 =	sadd.s32 @!p0 $0x100000, s1;
	[bflag:$0x2] =	sbarrier.arrive $0xFFFF  }
0x139: {  	[sflag:s0] =	ssyncadd.tile.s32 @!p0 $0x1;
	_ =	shalt  }
.Lfunc_end2:
_tile_overlayer_lowered:
.L_overlay_start_2:
0x13a: {  	(tag) =	ssettag $0x2  }
0x13b: {  	s0 =	rddreg [dreg:$0x0];
	s2 =	stileid.u32  }
0x13c: {  	s1 =	rddreg [dreg:$0x1];
	p0 =	sne.s32 s2, $0x0  }
0x13d: {  	s3 =	rddreg [dreg:$0x2];
	[bflag:$0x3] =	sbarrier.arrive $0xFFFF;
	s2 =	simm.s32 @!p0 $0x1C03  }
0x13e: {  	[timem:s3], [sflag:s2] =	dma.local @!p0 [hbm:s0], s1  }
0x13f: {  	s0 =	simm.s32 @!p0 $0x3  }
0x140: {  	_ =	swait.ge @!p0 [sflag:s0], s1  }
0x141: {  	s1 =	ssub.s32 @!p0 $0x0, s1;
	[sflag:s0] =	ssyncset.done @!p0 $0x0  }
0x142: {  	[sflag:s0] =	ssyncadd.s32 @!p0 s1  }
0x143: {  	[bflag:$0x3] =	sbarrier.arrive $0xFFFF  }
0x144: {  	_ =	shalt  }

</sc_bundles>
